<compile_context>
chip_gen: v7x
topology: tpu7x:2x2x1
jax: 0.10.2.dev20260603
libtpu: 0.0.44.dev20260713+nightly
codegen_flags: <defaults>
</compile_context>

<pallas_src>
import functools

import jax
import jax.numpy as jnp
from jax import lax
from jax.experimental import pallas as pl
from jax.experimental.pallas import tpu as pltpu
from jax.experimental.pallas import tpu_sc as plsc

_B = 4096
_M = 4
_D = 64
_NGROUPS = 4096
_NUSERS = 100000

_NC = 2

_ME_ROWS = _B * _M + 128
_R_ROWS = _B + 128


def _sc_gather2(gi, ii, gm_flat, ut_p, it_p, gt_p):
    mesh = plsc.VectorSubcoreMesh(core_axis_name="c", subcore_axis_name="s")

    @functools.partial(
        pl.kernel,
        mesh=mesh,
        compiler_params=pltpu.CompilerParams(needs_layout_passes=False),
        out_type=(
            jax.ShapeDtypeStruct((_ME_ROWS, 128), jnp.float32),
            jax.ShapeDtypeStruct((_R_ROWS, 128), jnp.float32),
            jax.ShapeDtypeStruct((_R_ROWS, 128), jnp.float32),
        ),
        scratch_types=[
            pltpu.VMEM((512,), jnp.int32),
            pltpu.VMEM((512,), jnp.int32),
            pltpu.VMEM((128,), jnp.int32),
            pltpu.VMEM((128,), jnp.int32),
            pltpu.VMEM((_NGROUPS * _M,), jnp.int32),
            pltpu.VMEM((128, 128), jnp.float32),
            pltpu.VMEM((128, 128), jnp.float32),
            pltpu.SemaphoreType.DMA,
            pltpu.SemaphoreType.DMA,
        ],
    )
    def k(gi_hbm, ii_hbm, gm_hbm, ut_hbm, it_hbm, gt_hbm,
          me_out, ir_out, gr_out,
          gid_v, uidx_v, ii_v, gi_v, gm_v, rows_a, rows_b, sem_a, sem_b):
        w = lax.axis_index("s") * _NC + lax.axis_index("c")
        m_own = w // 8
        bbase = (w % 8) * 512
        pltpu.sync_copy(gi_hbm.at[pl.ds(bbase, 512)], gid_v)
        pltpu.sync_copy(ii_hbm.at[pl.ds(w * 128, 128)], ii_v)
        pltpu.sync_copy(gi_hbm.at[pl.ds(w * 128, 128)], gi_v)
        pltpu.sync_copy(gm_hbm, gm_v)
        for i in range(32):
            g16 = gid_v[pl.ds(i * 16, 16)]
            uidx_v[pl.ds(i * 16, 16)] = plsc.load_gather(
                gm_v, [g16 * _M + m_own])

        chunks = [(ut_hbm.at[uidx_v.at[pl.ds(c * 128, 128)]],
                   me_out.at[pl.ds(m_own * _B + bbase + c * 128, 128)])
                  for c in range(4)]
        chunks.append((it_hbm.at[ii_v], ir_out.at[pl.ds(w * 128, 128)]))
        chunks.append((gt_hbm.at[gi_v], gr_out.at[pl.ds(w * 128, 128)]))

        bufs = [rows_a, rows_b]
        sems = [sem_a, sem_b]
        cps = [None, None]
        cps[0] = pltpu.async_copy(chunks[0][0], bufs[0], sems[0])
        for i in range(len(chunks)):
            p = i % 2
            if i + 1 < len(chunks):
                cps[1 - p] = pltpu.async_copy(
                    chunks[i + 1][0], bufs[1 - p], sems[1 - p])
            cps[p].wait()
            pltpu.sync_copy(bufs[p], chunks[i][1])

    return k(gi, ii, gm_flat, ut_p, it_p, gt_p)


def _tc_pad_body(xt_ref, eye_ref, out_ref):
    xt = xt_ref[...]
    ident = eye_ref[...]
    rows = lax.dot_general(xt, ident, (((0,), (0,)), ((), ())))
    out_ref[:, pl.ds(0, _D)] = rows


def _tc_pad(table_t, n_rows, cb):
    grid = (n_rows + cb - 1) // cb
    eye = jnp.eye(_D, dtype=jnp.float32)
    return pl.pallas_call(
        _tc_pad_body,
        grid=(grid,),
        in_specs=[
            pl.BlockSpec((_D, cb), lambda i: (0, i)),
            pl.BlockSpec((_D, _D), lambda i: (0, 0)),
        ],
        out_specs=pl.BlockSpec((cb, 128), lambda i: (i, 0)),
        out_shape=jax.ShapeDtypeStruct((n_rows, 128), jnp.float32),
    )(table_t, eye)


_BLK = 512


def _tc_body(me0_ref, me1_ref, me2_ref, me3_ref, it_ref, gr_ref,
             w1u_ref, w1i_ref, b1_ref, w2_ref, b2_ref,
             wc_ref, bc_ref, wp1_ref, bp1_ref, wp2_ref, bp2_ref,
             y_ref, aw_ref, ty_ref):
    me = [me0_ref[...][:, :_D], me1_ref[...][:, :_D],
          me2_ref[...][:, :_D], me3_ref[...][:, :_D]]
    item = it_ref[...][:, :_D]
    grp = gr_ref[...][:, :_D]
    w1u = w1u_ref[...]
    b1 = b1_ref[...]
    w2 = w2_ref[...]

    t = jnp.dot(item, w1i_ref[...]) + b1
    cols = []
    for m in range(_M):
        h = jnp.maximum(jnp.dot(me[m], w1u) + t, 0.0)
        cols.append(jnp.dot(h, w2))
    logits = jnp.concatenate(cols, axis=1) + b2_ref[...]

    mx = jnp.max(logits, axis=1, keepdims=True)
    e = jnp.exp(logits - mx)
    aw = e / jnp.sum(e, axis=1, keepdims=True)

    mw = jnp.max(aw, axis=1, keepdims=True)
    iota4 = lax.broadcasted_iota(jnp.int32, (_BLK, _M), 1).astype(jnp.float32)
    idx = jnp.min(jnp.where(aw >= mw, iota4, float(_M)), axis=1, keepdims=True)
    oh = (iota4 == idx).astype(jnp.float32)

    wc = wc_ref[...]
    bc = bc_ref[...]
    diff = aw * (wc[:, 1:2] - wc[:, 0:1]) + (bc[:, 1:2] - bc[:, 0:1])
    pred = (diff > 0.0).astype(jnp.float32)
    ptype = jnp.sum(oh * pred, axis=1, keepdims=True)

    wsel = jnp.where(ptype == 1.0, oh, aw)
    g = wsel[:, 0:1] * me[0]
    for m in range(1, _M):
        g = g + wsel[:, m:m + 1] * me[m]

    ge = g + grp
    el = ge * item
    new = jnp.concatenate([el, ge, item], axis=1)
    p = jnp.maximum(jnp.dot(new, wp1_ref[...]) + bp1_ref[...], 0.0)
    y = jax.nn.sigmoid(jnp.dot(p, wp2_ref[...]) + bp2_ref[...])

    y_ref[...] = y
    aw_ref[...] = aw
    ty_ref[...] = ptype


def _tc_dense(me_p, ir_p, gr_p, w1u, w1i, b1, w2, b2, wc, bc,
              wp1, bp1, wp2, bp2):
    grid = _B // _BLK
    full = lambda a: pl.BlockSpec(a.shape, lambda i: (0,) * a.ndim)
    me_spec = lambda m: pl.BlockSpec(
        (_BLK, 128), lambda i, m=m: (m * grid + i, 0))
    return pl.pallas_call(
        _tc_body,
        grid=(grid,),
        in_specs=[
            me_spec(0), me_spec(1), me_spec(2), me_spec(3),
            pl.BlockSpec((_BLK, 128), lambda i: (i, 0)),
            pl.BlockSpec((_BLK, 128), lambda i: (i, 0)),
            full(w1u), full(w1i), full(b1), full(w2), full(b2),
            full(wc), full(bc), full(wp1), full(bp1), full(wp2), full(bp2),
        ],
        out_specs=[
            pl.BlockSpec((_BLK, 1), lambda i: (i, 0)),
            pl.BlockSpec((_BLK, _M), lambda i: (i, 0)),
            pl.BlockSpec((_BLK, 1), lambda i: (i, 0)),
        ],
        out_shape=[
            jax.ShapeDtypeStruct((_B, 1), jnp.float32),
            jax.ShapeDtypeStruct((_B, _M), jnp.float32),
            jax.ShapeDtypeStruct((_B, 1), jnp.float32),
        ],
    )(me_p, me_p, me_p, me_p, ir_p, gr_p, w1u, w1i, b1, w2, b2, wc, bc,
      wp1, bp1, wp2, bp2)


def kernel(group_inputs, item_inputs, group_members, user_table, item_table,
           group_table, W1, b1, W2, b2, Wc, bc, Wp1, bp1, Wp2, bp2):
    me_p, ir_p, gr_p = _sc_gather2(
        group_inputs, item_inputs, group_members.reshape(-1),
        _tc_pad(user_table.T, _NUSERS, 4096),
        _tc_pad(item_table.T, _NUSERS, 4096),
        _tc_pad(group_table.T, _NGROUPS, 4096))

    y, aw, ty = _tc_dense(
        me_p, ir_p, gr_p,
        W1[:_D], W1[_D:], b1.reshape(1, 16), W2, b2.reshape(1, 1),
        Wc, bc.reshape(1, 2), Wp1, bp1.reshape(1, 8), Wp2, bp2.reshape(1, 1))
    return y, aw, ty.reshape(_B)

# --- scband reference (transcript-rebuilt; emitter-appended) ---
"""Pipeline reference for scband-agree-41205916237970 (READ-ONLY COPY).

The authoritative reference and input builder live on the scoring server;
editing this copy changes nothing except your own understanding.
"""

import jax, jax.numpy as jnp
import numpy as np

NUM_USERS = 100000
NUM_ITEMS = 100000
NUM_GROUPS = 4096
D = 64
M = 4
B = 4096


def setup_inputs(seed: int = 0) -> dict:
    key = jax.random.key(seed)
    ks = jax.random.split(key, 20)

    def xavier(k, shape):
        fan_in, fan_out = shape[0], shape[1]
        std = float(np.sqrt(2.0 / (fan_in + fan_out)))
        return jax.random.normal(k, shape, dtype=jnp.float32) * std

    inp = {}
    # forward int inputs
    inp['group_inputs'] = jax.random.randint(ks[0], (B,), 0, NUM_GROUPS, dtype=jnp.int32)
    inp['item_inputs'] = jax.random.randint(ks[1], (B,), 0, NUM_ITEMS, dtype=jnp.int32)
    # dense materialization of group_member_dict: every group has M members
    inp['group_members'] = jax.random.randint(ks[2], (NUM_GROUPS, M), 0, NUM_USERS, dtype=jnp.int32)
    # embedding tables (xavier_normal init as in torch code)
    inp['user_table'] = xavier(ks[3], (NUM_USERS, D))
    inp['item_table'] = xavier(ks[4], (NUM_ITEMS, D))
    inp['group_table'] = xavier(ks[5], (NUM_GROUPS, D))
    # attention MLP: Linear(2D,16) -> ReLU -> Linear(16,1)  (torch init.normal_ -> scaled normal kept small for stability)
    inp['W1'] = jax.random.normal(ks[6], (2 * D, 16), dtype=jnp.float32) * 0.05
    inp['b1'] = jnp.zeros((16,), dtype=jnp.float32)
    inp['W2'] = jax.random.normal(ks[7], (16, 1), dtype=jnp.float32) * 0.05
    inp['b2'] = jnp.zeros((1,), dtype=jnp.float32)
    # classifier: Linear(1,2) applied per attention weight
    inp['Wc'] = jax.random.normal(ks[8], (1, 2), dtype=jnp.float32) * 0.05
    inp['bc'] = jnp.zeros((2,), dtype=jnp.float32)
    # predict layer: Linear(3D,8) -> ReLU -> Linear(8,1)
    inp['Wp1'] = jax.random.normal(ks[9], (3 * D, 8), dtype=jnp.float32) * 0.05
    inp['bp1'] = jnp.zeros((8,), dtype=jnp.float32)
    inp['Wp2'] = jax.random.normal(ks[10], (8, 1), dtype=jnp.float32) * 0.05
    inp['bp2'] = jnp.zeros((1,), dtype=jnp.float32)
    return inp


def reference(group_inputs, item_inputs, group_members, user_table, item_table,
              group_table, W1, b1, W2, b2, Wc, bc, Wp1, bp1, Wp2, bp2):
    # grp_forward path (user_inputs is None), vectorized over the batch of groups.
    members = jnp.take(group_members, group_inputs, axis=0)          # [B, M]
    members_embeds = jnp.take(user_table, members, axis=0)           # [B, M, D]
    item_embeds_full = jnp.take(item_table, item_inputs, axis=0)     # [B, D]
    item_rep = jnp.broadcast_to(item_embeds_full[:, None, :], members_embeds.shape)
    group_item_embeds = jnp.concatenate([members_embeds, item_rep], axis=-1)  # [B, M, 2D]

    # AttentionLayer: Linear -> ReLU -> Linear, softmax over the group's members
    h = jax.nn.relu(group_item_embeds @ W1 + b1)                      # [B, M, 16]
    att_logits = (h @ W2 + b2)[..., 0]                                # [B, M]
    at_wt = jax.nn.softmax(att_logits, axis=1)                        # [B, M]

    max_idx = jnp.argmax(at_wt, axis=1)                               # [B]
    # classifier Linear(1,2) applied to each attention weight
    classification_scores = at_wt[..., None] @ Wc + bc                # [B, M, 2]
    pred_per_member = jnp.argmax(jax.nn.softmax(classification_scores, axis=-1), axis=-1)  # [B, M]
    # group-level predicted class taken at the max-attention member
    predicted_classes = jnp.take_along_axis(pred_per_member, max_idx[:, None], axis=1)[:, 0]  # [B]

    g_soft = jnp.einsum('bm,bmd->bd', at_wt, members_embeds)          # soft attention aggregation
    g_hard = jnp.take_along_axis(members_embeds, max_idx[:, None, None], axis=1)[:, 0, :]
    g_embeds_with_attention = jnp.where((predicted_classes == 1)[:, None], g_hard, g_soft)

    group_embeds_pure = jnp.take(group_table, group_inputs, axis=0)   # [B, D]
    group_embeds = g_embeds_with_attention + group_embeds_pure        # [B, D]

    element_embeds = group_embeds * item_embeds_full
    new_embeds = jnp.concatenate([element_embeds, group_embeds, item_embeds_full], axis=1)  # [B, 3D]
    y = jax.nn.sigmoid(jax.nn.relu(new_embeds @ Wp1 + bp1) @ Wp2 + bp2)  # [B, 1]

    group_weights = at_wt                                             # already length M == target_size 4
    group_types = predicted_classes.astype(jnp.float32)
    return y, group_weights, group_types

if __name__ == "__main__":
    import jax
    _d = setup_inputs()
    print(jax.jit(kernel)(*tuple(_d.values())))

</pallas_src>

<mosaic_0001>
#map = affine_map<(d0, d1) -> (0)>
#map1 = affine_map<(d0, d1) -> (0, 0)>
module attributes {stable_mosaic.version = 14 : i64} {
  func.func @k(%arg0: i32, %arg1: i32, %arg2: memref<4096xi32, #tpu.memory_space<hbm>>, %arg3: memref<4096xi32, #tpu.memory_space<hbm>>, %arg4: memref<16384xi32, #tpu.memory_space<hbm>>, %arg5: memref<100000x128xf32, #tpu.memory_space<hbm>>, %arg6: memref<100000x128xf32, #tpu.memory_space<hbm>>, %arg7: memref<4096x128xf32, #tpu.memory_space<hbm>>, %arg8: memref<16512x128xf32, #tpu.memory_space<hbm>>, %arg9: memref<4224x128xf32, #tpu.memory_space<hbm>>, %arg10: memref<4224x128xf32, #tpu.memory_space<hbm>>, %arg11: memref<512xi32, #tpu.memory_space<vmem>>, %arg12: memref<512xi32, #tpu.memory_space<vmem>>, %arg13: memref<128xi32, #tpu.memory_space<vmem>>, %arg14: memref<128xi32, #tpu.memory_space<vmem>>, %arg15: memref<16384xi32, #tpu.memory_space<vmem>>, %arg16: memref<128x128xf32, #tpu.memory_space<vmem>>, %arg17: memref<128x128xf32, #tpu.memory_space<vmem>>, %arg18: memref<!tpu.dma_semaphore, #tpu.memory_space<semaphore_mem>>, %arg19: memref<!tpu.dma_semaphore, #tpu.memory_space<semaphore_mem>>) attributes {dimension_semantics = [#tpu.dimension_semantics<core_parallel>, #tpu.dimension_semantics<subcore_parallel>], iteration_bounds = array<i64: 2, 16>, scalar_prefetch = 0 : i64, scratch_operands = 9 : i64, tpu.core_type = #tpu.core_type<sc_vector_subcore>, window_params = [{transform_indices = #map}, {transform_indices = #map}, {transform_indices = #map}, {transform_indices = #map1}, {transform_indices = #map1}, {transform_indices = #map1}, {transform_indices = #map1}, {transform_indices = #map1}, {transform_indices = #map1}]} {
    %mul3A = arith.constant 2 : i32
    %mul3A_0 = arith.muli %arg1, %mul3A : i32
    %add3A = arith.addi %mul3A_0, %arg0 : i32
    %jit3A = arith.constant 8 : i32
    %div3A = arith.divsi %add3A, %jit3A : i32
    %sign3A = arith.constant 0 : i32
    %sign3A_1 = arith.cmpi sgt, %add3A, %sign3A : i32
    %sign3A_2 = arith.extui %sign3A_1 : i1 to i32
    %sign3A_3 = arith.constant 0 : i32
    %sign3A_4 = arith.cmpi slt, %add3A, %sign3A_3 : i32
    %sign3A_5 = arith.extui %sign3A_4 : i1 to i32
    %sign3A_6 = arith.subi %sign3A_2, %sign3A_5 : i32
    %sign3A_7 = arith.constant 0 : i32
    %sign3A_8 = arith.cmpi sgt, %jit3A, %sign3A_7 : i32
    %sign3A_9 = arith.extui %sign3A_8 : i1 to i32
    %sign3A_10 = arith.constant 0 : i32
    %sign3A_11 = arith.cmpi slt, %jit3A, %sign3A_10 : i32
    %sign3A_12 = arith.extui %sign3A_11 : i1 to i32
    %sign3A_13 = arith.subi %sign3A_9, %sign3A_12 : i32
    %ne3A = arith.cmpi ne, %sign3A_6, %sign3A_13 : i32
    %rem3A = arith.remsi %add3A, %jit3A : i32
    %ne3A_14 = arith.constant 0 : i32
    %ne3A_15 = arith.cmpi ne, %rem3A, %ne3A_14 : i32
    %and3A = arith.andi %ne3A, %ne3A_15 : i1
    %sub3A = arith.constant 1 : i32
    %sub3A_16 = arith.subi %div3A, %sub3A : i32
    %select_n3A = arith.select %and3A, %sub3A_16, %div3A : i32
    %jit3A_17 = arith.constant 8 : i32
    %eq3A = arith.constant 0 : i32
    %eq3A_18 = arith.cmpi eq, %jit3A_17, %eq3A : i32
    %jit3A_19 = arith.constant 1 : i32
    %select_n3A_20 = arith.select %eq3A_18, %jit3A_19, %jit3A_17 : i32
    %rem3A_21 = arith.remsi %add3A, %select_n3A_20 : i32
    %ne3A_22 = arith.constant 0 : i32
    %ne3A_23 = arith.cmpi ne, %rem3A_21, %ne3A_22 : i32
    %lt3A = arith.constant 0 : i32
    %lt3A_24 = arith.cmpi slt, %rem3A_21, %lt3A : i32
    %lt3A_25 = arith.constant 0 : i32
    %lt3A_26 = arith.cmpi slt, %select_n3A_20, %lt3A_25 : i32
    %ne3A_27 = arith.xori %lt3A_24, %lt3A_26 : i1
    %and3A_28 = arith.andi %ne3A_27, %ne3A_23 : i1
    %add3A_29 = arith.addi %rem3A_21, %select_n3A_20 : i32
    %select_n3A_30 = arith.select %and3A_28, %add3A_29, %rem3A_21 : i32
    %mul3A_31 = arith.constant 512 : i32
    %mul3A_32 = arith.muli %select_n3A_30, %mul3A_31 : i32
    "tpu.region"() ({
      %run_scoped3A = tpu.sem_alloc : memref<!tpu.dma_semaphore, #tpu.memory_space<semaphore_mem>>
      %dma_start3A_428 = tpu.memref_slice %arg2[%mul3A_32] : memref<4096xi32, #tpu.memory_space<hbm>> -> memref<512xi32, #tpu.memory_space<hbm>>
      %dma_start3A_429 = tpu.memref_slice %arg2[%mul3A_32] : memref<4096xi32, #tpu.memory_space<hbm>> -> memref<512xi32, #tpu.memory_space<hbm>>
      tpu.enqueue_dma source(%dma_start3A_429 : memref<512xi32, #tpu.memory_space<hbm>>) target(%arg11 : memref<512xi32, #tpu.memory_space<vmem>>) target_semaphore(%run_scoped3A : memref<!tpu.dma_semaphore, #tpu.memory_space<semaphore_mem>>)
      %dma_wait3A_430 = tpu.memref_slice %arg2[%mul3A_32] : memref<4096xi32, #tpu.memory_space<hbm>> -> memref<512xi32, #tpu.memory_space<hbm>>
      %dma_wait3A_431 = tpu.memref_slice %arg2[%mul3A_32] : memref<4096xi32, #tpu.memory_space<hbm>> -> memref<512xi32, #tpu.memory_space<hbm>>
      tpu.wait_dma2 semaphore(%run_scoped3A : memref<!tpu.dma_semaphore, #tpu.memory_space<semaphore_mem>>) src(%dma_wait3A_431 : memref<512xi32, #tpu.memory_space<hbm>>) dst(%arg11 : memref<512xi32, #tpu.memory_space<vmem>>)
      tpu.yield
    }) : () -> ()
    %mul3A_33 = arith.constant 128 : i32
    %mul3A_34 = arith.muli %add3A, %mul3A_33 : i32
    "tpu.region"() ({
      %run_scoped3A = tpu.sem_alloc : memref<!tpu.dma_semaphore, #tpu.memory_space<semaphore_mem>>
      %dma_start3A_428 = tpu.memref_slice %arg3[%mul3A_34] : memref<4096xi32, #tpu.memory_space<hbm>> -> memref<128xi32, #tpu.memory_space<hbm>>
      %dma_start3A_429 = tpu.memref_slice %arg3[%mul3A_34] : memref<4096xi32, #tpu.memory_space<hbm>> -> memref<128xi32, #tpu.memory_space<hbm>>
      tpu.enqueue_dma source(%dma_start3A_429 : memref<128xi32, #tpu.memory_space<hbm>>) target(%arg13 : memref<128xi32, #tpu.memory_space<vmem>>) target_semaphore(%run_scoped3A : memref<!tpu.dma_semaphore, #tpu.memory_space<semaphore_mem>>)
      %dma_wait3A_430 = tpu.memref_slice %arg3[%mul3A_34] : memref<4096xi32, #tpu.memory_space<hbm>> -> memref<128xi32, #tpu.memory_space<hbm>>
      %dma_wait3A_431 = tpu.memref_slice %arg3[%mul3A_34] : memref<4096xi32, #tpu.memory_space<hbm>> -> memref<128xi32, #tpu.memory_space<hbm>>
      tpu.wait_dma2 semaphore(%run_scoped3A : memref<!tpu.dma_semaphore, #tpu.memory_space<semaphore_mem>>) src(%dma_wait3A_431 : memref<128xi32, #tpu.memory_space<hbm>>) dst(%arg13 : memref<128xi32, #tpu.memory_space<vmem>>)
      tpu.yield
    }) : () -> ()
    %mul3A_35 = arith.constant 128 : i32
    %mul3A_36 = arith.muli %add3A, %mul3A_35 : i32
    "tpu.region"() ({
      %run_scoped3A = tpu.sem_alloc : memref<!tpu.dma_semaphore, #tpu.memory_space<semaphore_mem>>
      %dma_start3A_428 = tpu.memref_slice %arg2[%mul3A_36] : memref<4096xi32, #tpu.memory_space<hbm>> -> memref<128xi32, #tpu.memory_space<hbm>>
      %dma_start3A_429 = tpu.memref_slice %arg2[%mul3A_36] : memref<4096xi32, #tpu.memory_space<hbm>> -> memref<128xi32, #tpu.memory_space<hbm>>
      tpu.enqueue_dma source(%dma_start3A_429 : memref<128xi32, #tpu.memory_space<hbm>>) target(%arg14 : memref<128xi32, #tpu.memory_space<vmem>>) target_semaphore(%run_scoped3A : memref<!tpu.dma_semaphore, #tpu.memory_space<semaphore_mem>>)
      %dma_wait3A_430 = tpu.memref_slice %arg2[%mul3A_36] : memref<4096xi32, #tpu.memory_space<hbm>> -> memref<128xi32, #tpu.memory_space<hbm>>
      %dma_wait3A_431 = tpu.memref_slice %arg2[%mul3A_36] : memref<4096xi32, #tpu.memory_space<hbm>> -> memref<128xi32, #tpu.memory_space<hbm>>
      tpu.wait_dma2 semaphore(%run_scoped3A : memref<!tpu.dma_semaphore, #tpu.memory_space<semaphore_mem>>) src(%dma_wait3A_431 : memref<128xi32, #tpu.memory_space<hbm>>) dst(%arg14 : memref<128xi32, #tpu.memory_space<vmem>>)
      tpu.yield
    }) : () -> ()
    "tpu.region"() ({
      %run_scoped3A = tpu.sem_alloc : memref<!tpu.dma_semaphore, #tpu.memory_space<semaphore_mem>>
      tpu.enqueue_dma source(%arg4 : memref<16384xi32, #tpu.memory_space<hbm>>) target(%arg15 : memref<16384xi32, #tpu.memory_space<vmem>>) target_semaphore(%run_scoped3A : memref<!tpu.dma_semaphore, #tpu.memory_space<semaphore_mem>>)
      tpu.wait_dma2 semaphore(%run_scoped3A : memref<!tpu.dma_semaphore, #tpu.memory_space<semaphore_mem>>) src(%arg4 : memref<16384xi32, #tpu.memory_space<hbm>>) dst(%arg15 : memref<16384xi32, #tpu.memory_space<vmem>>)
      tpu.yield
    }) : () -> ()
    %get3A = arith.constant 0 : index
    %get3A_37 = tpu.vector_load %arg11[%get3A] {strides = array<i32>} : memref<512xi32, #tpu.memory_space<vmem>>, vector<16xi32>,
    %mul3A_38 = arith.constant 4 : i32
    %mul3A_39 = vector.broadcast %mul3A_38 : i32 to vector<16xi32>
    %mul3A_40 = arith.muli %get3A_37, %mul3A_39 : vector<16xi32>
    %add3A_41 = vector.broadcast %select_n3A : i32 to vector<16xi32>
    %add3A_42 = arith.addi %mul3A_40, %add3A_41 : vector<16xi32>
    %gather3A = tpu.vector_load_idx %arg15[%add3A_42] : memref<16384xi32, #tpu.memory_space<vmem>>[vector<16xi32>], vector<16xi32>,
    %swap3A = arith.constant 0 : index
    %swap3A_43 = tpu.vector_load %arg12[%swap3A] {strides = array<i32>} : memref<512xi32, #tpu.memory_space<vmem>>, vector<16xi32>,
    tpu.vector_store %arg12[%swap3A], %gather3A {strides = array<i32>} : memref<512xi32, #tpu.memory_space<vmem>>, vector<16xi32>,
    %get3A_44 = arith.constant 16 : index
    %get3A_45 = tpu.vector_load %arg11[%get3A_44] {strides = array<i32>} : memref<512xi32, #tpu.memory_space<vmem>>, vector<16xi32>,
    %mul3A_46 = arith.constant 4 : i32
    %mul3A_47 = vector.broadcast %mul3A_46 : i32 to vector<16xi32>
    %mul3A_48 = arith.muli %get3A_45, %mul3A_47 : vector<16xi32>
    %add3A_49 = vector.broadcast %select_n3A : i32 to vector<16xi32>
    %add3A_50 = arith.addi %mul3A_48, %add3A_49 : vector<16xi32>
    %gather3A_51 = tpu.vector_load_idx %arg15[%add3A_50] : memref<16384xi32, #tpu.memory_space<vmem>>[vector<16xi32>], vector<16xi32>,
    %swap3A_52 = arith.constant 16 : index
    %swap3A_53 = tpu.vector_load %arg12[%swap3A_52] {strides = array<i32>} : memref<512xi32, #tpu.memory_space<vmem>>, vector<16xi32>,
    tpu.vector_store %arg12[%swap3A_52], %gather3A_51 {strides = array<i32>} : memref<512xi32, #tpu.memory_space<vmem>>, vector<16xi32>,
    %get3A_54 = arith.constant 32 : index
    %get3A_55 = tpu.vector_load %arg11[%get3A_54] {strides = array<i32>} : memref<512xi32, #tpu.memory_space<vmem>>, vector<16xi32>,
    %mul3A_56 = arith.constant 4 : i32
    %mul3A_57 = vector.broadcast %mul3A_56 : i32 to vector<16xi32>
    %mul3A_58 = arith.muli %get3A_55, %mul3A_57 : vector<16xi32>
    %add3A_59 = vector.broadcast %select_n3A : i32 to vector<16xi32>
    %add3A_60 = arith.addi %mul3A_58, %add3A_59 : vector<16xi32>
    %gather3A_61 = tpu.vector_load_idx %arg15[%add3A_60] : memref<16384xi32, #tpu.memory_space<vmem>>[vector<16xi32>], vector<16xi32>,
    %swap3A_62 = arith.constant 32 : index
    %swap3A_63 = tpu.vector_load %arg12[%swap3A_62] {strides = array<i32>} : memref<512xi32, #tpu.memory_space<vmem>>, vector<16xi32>,
    tpu.vector_store %arg12[%swap3A_62], %gather3A_61 {strides = array<i32>} : memref<512xi32, #tpu.memory_space<vmem>>, vector<16xi32>,
    %get3A_64 = arith.constant 48 : index
    %get3A_65 = tpu.vector_load %arg11[%get3A_64] {strides = array<i32>} : memref<512xi32, #tpu.memory_space<vmem>>, vector<16xi32>,
    %mul3A_66 = arith.constant 4 : i32
    %mul3A_67 = vector.broadcast %mul3A_66 : i32 to vector<16xi32>
    %mul3A_68 = arith.muli %get3A_65, %mul3A_67 : vector<16xi32>
    %add3A_69 = vector.broadcast %select_n3A : i32 to vector<16xi32>
    %add3A_70 = arith.addi %mul3A_68, %add3A_69 : vector<16xi32>
    %gather3A_71 = tpu.vector_load_idx %arg15[%add3A_70] : memref<16384xi32, #tpu.memory_space<vmem>>[vector<16xi32>], vector<16xi32>,
    %swap3A_72 = arith.constant 48 : index
    %swap3A_73 = tpu.vector_load %arg12[%swap3A_72] {strides = array<i32>} : memref<512xi32, #tpu.memory_space<vmem>>, vector<16xi32>,
    tpu.vector_store %arg12[%swap3A_72], %gather3A_71 {strides = array<i32>} : memref<512xi32, #tpu.memory_space<vmem>>, vector<16xi32>,
    %get3A_74 = arith.constant 64 : index
    %get3A_75 = tpu.vector_load %arg11[%get3A_74] {strides = array<i32>} : memref<512xi32, #tpu.memory_space<vmem>>, vector<16xi32>,
    %mul3A_76 = arith.constant 4 : i32
    %mul3A_77 = vector.broadcast %mul3A_76 : i32 to vector<16xi32>
    %mul3A_78 = arith.muli %get3A_75, %mul3A_77 : vector<16xi32>
    %add3A_79 = vector.broadcast %select_n3A : i32 to vector<16xi32>
    %add3A_80 = arith.addi %mul3A_78, %add3A_79 : vector<16xi32>
    %gather3A_81 = tpu.vector_load_idx %arg15[%add3A_80] : memref<16384xi32, #tpu.memory_space<vmem>>[vector<16xi32>], vector<16xi32>,
    %swap3A_82 = arith.constant 64 : index
    %swap3A_83 = tpu.vector_load %arg12[%swap3A_82] {strides = array<i32>} : memref<512xi32, #tpu.memory_space<vmem>>, vector<16xi32>,
    tpu.vector_store %arg12[%swap3A_82], %gather3A_81 {strides = array<i32>} : memref<512xi32, #tpu.memory_space<vmem>>, vector<16xi32>,
    %get3A_84 = arith.constant 80 : index
    %get3A_85 = tpu.vector_load %arg11[%get3A_84] {strides = array<i32>} : memref<512xi32, #tpu.memory_space<vmem>>, vector<16xi32>,
    %mul3A_86 = arith.constant 4 : i32
    %mul3A_87 = vector.broadcast %mul3A_86 : i32 to vector<16xi32>
    %mul3A_88 = arith.muli %get3A_85, %mul3A_87 : vector<16xi32>
    %add3A_89 = vector.broadcast %select_n3A : i32 to vector<16xi32>
    %add3A_90 = arith.addi %mul3A_88, %add3A_89 : vector<16xi32>
    %gather3A_91 = tpu.vector_load_idx %arg15[%add3A_90] : memref<16384xi32, #tpu.memory_space<vmem>>[vector<16xi32>], vector<16xi32>,
    %swap3A_92 = arith.constant 80 : index
    %swap3A_93 = tpu.vector_load %arg12[%swap3A_92] {strides = array<i32>} : memref<512xi32, #tpu.memory_space<vmem>>, vector<16xi32>,
    tpu.vector_store %arg12[%swap3A_92], %gather3A_91 {strides = array<i32>} : memref<512xi32, #tpu.memory_space<vmem>>, vector<16xi32>,
    %get3A_94 = arith.constant 96 : index
    %get3A_95 = tpu.vector_load %arg11[%get3A_94] {strides = array<i32>} : memref<512xi32, #tpu.memory_space<vmem>>, vector<16xi32>,
    %mul3A_96 = arith.constant 4 : i32
    %mul3A_97 = vector.broadcast %mul3A_96 : i32 to vector<16xi32>
    %mul3A_98 = arith.muli %get3A_95, %mul3A_97 : vector<16xi32>
    %add3A_99 = vector.broadcast %select_n3A : i32 to vector<16xi32>
    %add3A_100 = arith.addi %mul3A_98, %add3A_99 : vector<16xi32>
    %gather3A_101 = tpu.vector_load_idx %arg15[%add3A_100] : memref<16384xi32, #tpu.memory_space<vmem>>[vector<16xi32>], vector<16xi32>,
    %swap3A_102 = arith.constant 96 : index
    %swap3A_103 = tpu.vector_load %arg12[%swap3A_102] {strides = array<i32>} : memref<512xi32, #tpu.memory_space<vmem>>, vector<16xi32>,
    tpu.vector_store %arg12[%swap3A_102], %gather3A_101 {strides = array<i32>} : memref<512xi32, #tpu.memory_space<vmem>>, vector<16xi32>,
    %get3A_104 = arith.constant 112 : index
    %get3A_105 = tpu.vector_load %arg11[%get3A_104] {strides = array<i32>} : memref<512xi32, #tpu.memory_space<vmem>>, vector<16xi32>,
    %mul3A_106 = arith.constant 4 : i32
    %mul3A_107 = vector.broadcast %mul3A_106 : i32 to vector<16xi32>
    %mul3A_108 = arith.muli %get3A_105, %mul3A_107 : vector<16xi32>
    %add3A_109 = vector.broadcast %select_n3A : i32 to vector<16xi32>
    %add3A_110 = arith.addi %mul3A_108, %add3A_109 : vector<16xi32>
    %gather3A_111 = tpu.vector_load_idx %arg15[%add3A_110] : memref<16384xi32, #tpu.memory_space<vmem>>[vector<16xi32>], vector<16xi32>,
    %swap3A_112 = arith.constant 112 : index
    %swap3A_113 = tpu.vector_load %arg12[%swap3A_112] {strides = array<i32>} : memref<512xi32, #tpu.memory_space<vmem>>, vector<16xi32>,
    tpu.vector_store %arg12[%swap3A_112], %gather3A_111 {strides = array<i32>} : memref<512xi32, #tpu.memory_space<vmem>>, vector<16xi32>,
    %get3A_114 = arith.constant 128 : index
    %get3A_115 = tpu.vector_load %arg11[%get3A_114] {strides = array<i32>} : memref<512xi32, #tpu.memory_space<vmem>>, vector<16xi32>,
    %mul3A_116 = arith.constant 4 : i32
    %mul3A_117 = vector.broadcast %mul3A_116 : i32 to vector<16xi32>
    %mul3A_118 = arith.muli %get3A_115, %mul3A_117 : vector<16xi32>
    %add3A_119 = vector.broadcast %select_n3A : i32 to vector<16xi32>
    %add3A_120 = arith.addi %mul3A_118, %add3A_119 : vector<16xi32>
    %gather3A_121 = tpu.vector_load_idx %arg15[%add3A_120] : memref<16384xi32, #tpu.memory_space<vmem>>[vector<16xi32>], vector<16xi32>,
    %swap3A_122 = arith.constant 128 : index
    %swap3A_123 = tpu.vector_load %arg12[%swap3A_122] {strides = array<i32>} : memref<512xi32, #tpu.memory_space<vmem>>, vector<16xi32>,
    tpu.vector_store %arg12[%swap3A_122], %gather3A_121 {strides = array<i32>} : memref<512xi32, #tpu.memory_space<vmem>>, vector<16xi32>,
    %get3A_124 = arith.constant 144 : index
    %get3A_125 = tpu.vector_load %arg11[%get3A_124] {strides = array<i32>} : memref<512xi32, #tpu.memory_space<vmem>>, vector<16xi32>,
    %mul3A_126 = arith.constant 4 : i32
    %mul3A_127 = vector.broadcast %mul3A_126 : i32 to vector<16xi32>
    %mul3A_128 = arith.muli %get3A_125, %mul3A_127 : vector<16xi32>
    %add3A_129 = vector.broadcast %select_n3A : i32 to vector<16xi32>
    %add3A_130 = arith.addi %mul3A_128, %add3A_129 : vector<16xi32>
    %gather3A_131 = tpu.vector_load_idx %arg15[%add3A_130] : memref<16384xi32, #tpu.memory_space<vmem>>[vector<16xi32>], vector<16xi32>,
    %swap3A_132 = arith.constant 144 : index
    %swap3A_133 = tpu.vector_load %arg12[%swap3A_132] {strides = array<i32>} : memref<512xi32, #tpu.memory_space<vmem>>, vector<16xi32>,
    tpu.vector_store %arg12[%swap3A_132], %gather3A_131 {strides = array<i32>} : memref<512xi32, #tpu.memory_space<vmem>>, vector<16xi32>,
    %get3A_134 = arith.constant 160 : index
    %get3A_135 = tpu.vector_load %arg11[%get3A_134] {strides = array<i32>} : memref<512xi32, #tpu.memory_space<vmem>>, vector<16xi32>,
    %mul3A_136 = arith.constant 4 : i32
    %mul3A_137 = vector.broadcast %mul3A_136 : i32 to vector<16xi32>
    %mul3A_138 = arith.muli %get3A_135, %mul3A_137 : vector<16xi32>
    %add3A_139 = vector.broadcast %select_n3A : i32 to vector<16xi32>
    %add3A_140 = arith.addi %mul3A_138, %add3A_139 : vector<16xi32>
    %gather3A_141 = tpu.vector_load_idx %arg15[%add3A_140] : memref<16384xi32, #tpu.memory_space<vmem>>[vector<16xi32>], vector<16xi32>,
    %swap3A_142 = arith.constant 160 : index
    %swap3A_143 = tpu.vector_load %arg12[%swap3A_142] {strides = array<i32>} : memref<512xi32, #tpu.memory_space<vmem>>, vector<16xi32>,
    tpu.vector_store %arg12[%swap3A_142], %gather3A_141 {strides = array<i32>} : memref<512xi32, #tpu.memory_space<vmem>>, vector<16xi32>,
    %get3A_144 = arith.constant 176 : index
    %get3A_145 = tpu.vector_load %arg11[%get3A_144] {strides = array<i32>} : memref<512xi32, #tpu.memory_space<vmem>>, vector<16xi32>,
    %mul3A_146 = arith.constant 4 : i32
    %mul3A_147 = vector.broadcast %mul3A_146 : i32 to vector<16xi32>
    %mul3A_148 = arith.muli %get3A_145, %mul3A_147 : vector<16xi32>
    %add3A_149 = vector.broadcast %select_n3A : i32 to vector<16xi32>
    %add3A_150 = arith.addi %mul3A_148, %add3A_149 : vector<16xi32>
    %gather3A_151 = tpu.vector_load_idx %arg15[%add3A_150] : memref<16384xi32, #tpu.memory_space<vmem>>[vector<16xi32>], vector<16xi32>,
    %swap3A_152 = arith.constant 176 : index
    %swap3A_153 = tpu.vector_load %arg12[%swap3A_152] {strides = array<i32>} : memref<512xi32, #tpu.memory_space<vmem>>, vector<16xi32>,
    tpu.vector_store %arg12[%swap3A_152], %gather3A_151 {strides = array<i32>} : memref<512xi32, #tpu.memory_space<vmem>>, vector<16xi32>,
    %get3A_154 = arith.constant 192 : index
    %get3A_155 = tpu.vector_load %arg11[%get3A_154] {strides = array<i32>} : memref<512xi32, #tpu.memory_space<vmem>>, vector<16xi32>,
    %mul3A_156 = arith.constant 4 : i32
    %mul3A_157 = vector.broadcast %mul3A_156 : i32 to vector<16xi32>
    %mul3A_158 = arith.muli %get3A_155, %mul3A_157 : vector<16xi32>
    %add3A_159 = vector.broadcast %select_n3A : i32 to vector<16xi32>
    %add3A_160 = arith.addi %mul3A_158, %add3A_159 : vector<16xi32>
    %gather3A_161 = tpu.vector_load_idx %arg15[%add3A_160] : memref<16384xi32, #tpu.memory_space<vmem>>[vector<16xi32>], vector<16xi32>,
    %swap3A_162 = arith.constant 192 : index
    %swap3A_163 = tpu.vector_load %arg12[%swap3A_162] {strides = array<i32>} : memref<512xi32, #tpu.memory_space<vmem>>, vector<16xi32>,
    tpu.vector_store %arg12[%swap3A_162], %gather3A_161 {strides = array<i32>} : memref<512xi32, #tpu.memory_space<vmem>>, vector<16xi32>,
    %get3A_164 = arith.constant 208 : index
    %get3A_165 = tpu.vector_load %arg11[%get3A_164] {strides = array<i32>} : memref<512xi32, #tpu.memory_space<vmem>>, vector<16xi32>,
    %mul3A_166 = arith.constant 4 : i32
    %mul3A_167 = vector.broadcast %mul3A_166 : i32 to vector<16xi32>
    %mul3A_168 = arith.muli %get3A_165, %mul3A_167 : vector<16xi32>
    %add3A_169 = vector.broadcast %select_n3A : i32 to vector<16xi32>
    %add3A_170 = arith.addi %mul3A_168, %add3A_169 : vector<16xi32>
    %gather3A_171 = tpu.vector_load_idx %arg15[%add3A_170] : memref<16384xi32, #tpu.memory_space<vmem>>[vector<16xi32>], vector<16xi32>,
    %swap3A_172 = arith.constant 208 : index
    %swap3A_173 = tpu.vector_load %arg12[%swap3A_172] {strides = array<i32>} : memref<512xi32, #tpu.memory_space<vmem>>, vector<16xi32>,
    tpu.vector_store %arg12[%swap3A_172], %gather3A_171 {strides = array<i32>} : memref<512xi32, #tpu.memory_space<vmem>>, vector<16xi32>,
    %get3A_174 = arith.constant 224 : index
    %get3A_175 = tpu.vector_load %arg11[%get3A_174] {strides = array<i32>} : memref<512xi32, #tpu.memory_space<vmem>>, vector<16xi32>,
    %mul3A_176 = arith.constant 4 : i32
    %mul3A_177 = vector.broadcast %mul3A_176 : i32 to vector<16xi32>
    %mul3A_178 = arith.muli %get3A_175, %mul3A_177 : vector<16xi32>
    %add3A_179 = vector.broadcast %select_n3A : i32 to vector<16xi32>
    %add3A_180 = arith.addi %mul3A_178, %add3A_179 : vector<16xi32>
    %gather3A_181 = tpu.vector_load_idx %arg15[%add3A_180] : memref<16384xi32, #tpu.memory_space<vmem>>[vector<16xi32>], vector<16xi32>,
    %swap3A_182 = arith.constant 224 : index
    %swap3A_183 = tpu.vector_load %arg12[%swap3A_182] {strides = array<i32>} : memref<512xi32, #tpu.memory_space<vmem>>, vector<16xi32>,
    tpu.vector_store %arg12[%swap3A_182], %gather3A_181 {strides = array<i32>} : memref<512xi32, #tpu.memory_space<vmem>>, vector<16xi32>,
    %get3A_184 = arith.constant 240 : index
    %get3A_185 = tpu.vector_load %arg11[%get3A_184] {strides = array<i32>} : memref<512xi32, #tpu.memory_space<vmem>>, vector<16xi32>,
    %mul3A_186 = arith.constant 4 : i32
    %mul3A_187 = vector.broadcast %mul3A_186 : i32 to vector<16xi32>
    %mul3A_188 = arith.muli %get3A_185, %mul3A_187 : vector<16xi32>
    %add3A_189 = vector.broadcast %select_n3A : i32 to vector<16xi32>
    %add3A_190 = arith.addi %mul3A_188, %add3A_189 : vector<16xi32>
    %gather3A_191 = tpu.vector_load_idx %arg15[%add3A_190] : memref<16384xi32, #tpu.memory_space<vmem>>[vector<16xi32>], vector<16xi32>,
    %swap3A_192 = arith.constant 240 : index
    %swap3A_193 = tpu.vector_load %arg12[%swap3A_192] {strides = array<i32>} : memref<512xi32, #tpu.memory_space<vmem>>, vector<16xi32>,
    tpu.vector_store %arg12[%swap3A_192], %gather3A_191 {strides = array<i32>} : memref<512xi32, #tpu.memory_space<vmem>>, vector<16xi32>,
    %get3A_194 = arith.constant 256 : index
    %get3A_195 = tpu.vector_load %arg11[%get3A_194] {strides = array<i32>} : memref<512xi32, #tpu.memory_space<vmem>>, vector<16xi32>,
    %mul3A_196 = arith.constant 4 : i32
    %mul3A_197 = vector.broadcast %mul3A_196 : i32 to vector<16xi32>
    %mul3A_198 = arith.muli %get3A_195, %mul3A_197 : vector<16xi32>
    %add3A_199 = vector.broadcast %select_n3A : i32 to vector<16xi32>
    %add3A_200 = arith.addi %mul3A_198, %add3A_199 : vector<16xi32>
    %gather3A_201 = tpu.vector_load_idx %arg15[%add3A_200] : memref<16384xi32, #tpu.memory_space<vmem>>[vector<16xi32>], vector<16xi32>,
    %swap3A_202 = arith.constant 256 : index
    %swap3A_203 = tpu.vector_load %arg12[%swap3A_202] {strides = array<i32>} : memref<512xi32, #tpu.memory_space<vmem>>, vector<16xi32>,
    tpu.vector_store %arg12[%swap3A_202], %gather3A_201 {strides = array<i32>} : memref<512xi32, #tpu.memory_space<vmem>>, vector<16xi32>,
    %get3A_204 = arith.constant 272 : index
    %get3A_205 = tpu.vector_load %arg11[%get3A_204] {strides = array<i32>} : memref<512xi32, #tpu.memory_space<vmem>>, vector<16xi32>,
    %mul3A_206 = arith.constant 4 : i32
    %mul3A_207 = vector.broadcast %mul3A_206 : i32 to vector<16xi32>
    %mul3A_208 = arith.muli %get3A_205, %mul3A_207 : vector<16xi32>
    %add3A_209 = vector.broadcast %select_n3A : i32 to vector<16xi32>
    %add3A_210 = arith.addi %mul3A_208, %add3A_209 : vector<16xi32>
    %gather3A_211 = tpu.vector_load_idx %arg15[%add3A_210] : memref<16384xi32, #tpu.memory_space<vmem>>[vector<16xi32>], vector<16xi32>,
    %swap3A_212 = arith.constant 272 : index
    %swap3A_213 = tpu.vector_load %arg12[%swap3A_212] {strides = array<i32>} : memref<512xi32, #tpu.memory_space<vmem>>, vector<16xi32>,
    tpu.vector_store %arg12[%swap3A_212], %gather3A_211 {strides = array<i32>} : memref<512xi32, #tpu.memory_space<vmem>>, vector<16xi32>,
    %get3A_214 = arith.constant 288 : index
    %get3A_215 = tpu.vector_load %arg11[%get3A_214] {strides = array<i32>} : memref<512xi32, #tpu.memory_space<vmem>>, vector<16xi32>,
    %mul3A_216 = arith.constant 4 : i32
    %mul3A_217 = vector.broadcast %mul3A_216 : i32 to vector<16xi32>
    %mul3A_218 = arith.muli %get3A_215, %mul3A_217 : vector<16xi32>
    %add3A_219 = vector.broadcast %select_n3A : i32 to vector<16xi32>
    %add3A_220 = arith.addi %mul3A_218, %add3A_219 : vector<16xi32>
    %gather3A_221 = tpu.vector_load_idx %arg15[%add3A_220] : memref<16384xi32, #tpu.memory_space<vmem>>[vector<16xi32>], vector<16xi32>,
    %swap3A_222 = arith.constant 288 : index
    %swap3A_223 = tpu.vector_load %arg12[%swap3A_222] {strides = array<i32>} : memref<512xi32, #tpu.memory_space<vmem>>, vector<16xi32>,
    tpu.vector_store %arg12[%swap3A_222], %gather3A_221 {strides = array<i32>} : memref<512xi32, #tpu.memory_space<vmem>>, vector<16xi32>,
    %get3A_224 = arith.constant 304 : index
    %get3A_225 = tpu.vector_load %arg11[%get3A_224] {strides = array<i32>} : memref<512xi32, #tpu.memory_space<vmem>>, vector<16xi32>,
    %mul3A_226 = arith.constant 4 : i32
    %mul3A_227 = vector.broadcast %mul3A_226 : i32 to vector<16xi32>
    %mul3A_228 = arith.muli %get3A_225, %mul3A_227 : vector<16xi32>
    %add3A_229 = vector.broadcast %select_n3A : i32 to vector<16xi32>
    %add3A_230 = arith.addi %mul3A_228, %add3A_229 : vector<16xi32>
    %gather3A_231 = tpu.vector_load_idx %arg15[%add3A_230] : memref<16384xi32, #tpu.memory_space<vmem>>[vector<16xi32>], vector<16xi32>,
    %swap3A_232 = arith.constant 304 : index
    %swap3A_233 = tpu.vector_load %arg12[%swap3A_232] {strides = array<i32>} : memref<512xi32, #tpu.memory_space<vmem>>, vector<16xi32>,
    tpu.vector_store %arg12[%swap3A_232], %gather3A_231 {strides = array<i32>} : memref<512xi32, #tpu.memory_space<vmem>>, vector<16xi32>,
    %get3A_234 = arith.constant 320 : index
    %get3A_235 = tpu.vector_load %arg11[%get3A_234] {strides = array<i32>} : memref<512xi32, #tpu.memory_space<vmem>>, vector<16xi32>,
    %mul3A_236 = arith.constant 4 : i32
    %mul3A_237 = vector.broadcast %mul3A_236 : i32 to vector<16xi32>
    %mul3A_238 = arith.muli %get3A_235, %mul3A_237 : vector<16xi32>
    %add3A_239 = vector.broadcast %select_n3A : i32 to vector<16xi32>
    %add3A_240 = arith.addi %mul3A_238, %add3A_239 : vector<16xi32>
    %gather3A_241 = tpu.vector_load_idx %arg15[%add3A_240] : memref<16384xi32, #tpu.memory_space<vmem>>[vector<16xi32>], vector<16xi32>,
    %swap3A_242 = arith.constant 320 : index
    %swap3A_243 = tpu.vector_load %arg12[%swap3A_242] {strides = array<i32>} : memref<512xi32, #tpu.memory_space<vmem>>, vector<16xi32>,
    tpu.vector_store %arg12[%swap3A_242], %gather3A_241 {strides = array<i32>} : memref<512xi32, #tpu.memory_space<vmem>>, vector<16xi32>,
    %get3A_244 = arith.constant 336 : index
    %get3A_245 = tpu.vector_load %arg11[%get3A_244] {strides = array<i32>} : memref<512xi32, #tpu.memory_space<vmem>>, vector<16xi32>,
    %mul3A_246 = arith.constant 4 : i32
    %mul3A_247 = vector.broadcast %mul3A_246 : i32 to vector<16xi32>
    %mul3A_248 = arith.muli %get3A_245, %mul3A_247 : vector<16xi32>
    %add3A_249 = vector.broadcast %select_n3A : i32 to vector<16xi32>
    %add3A_250 = arith.addi %mul3A_248, %add3A_249 : vector<16xi32>
    %gather3A_251 = tpu.vector_load_idx %arg15[%add3A_250] : memref<16384xi32, #tpu.memory_space<vmem>>[vector<16xi32>], vector<16xi32>,
    %swap3A_252 = arith.constant 336 : index
    %swap3A_253 = tpu.vector_load %arg12[%swap3A_252] {strides = array<i32>} : memref<512xi32, #tpu.memory_space<vmem>>, vector<16xi32>,
    tpu.vector_store %arg12[%swap3A_252], %gather3A_251 {strides = array<i32>} : memref<512xi32, #tpu.memory_space<vmem>>, vector<16xi32>,
    %get3A_254 = arith.constant 352 : index
    %get3A_255 = tpu.vector_load %arg11[%get3A_254] {strides = array<i32>} : memref<512xi32, #tpu.memory_space<vmem>>, vector<16xi32>,
    %mul3A_256 = arith.constant 4 : i32
    %mul3A_257 = vector.broadcast %mul3A_256 : i32 to vector<16xi32>
    %mul3A_258 = arith.muli %get3A_255, %mul3A_257 : vector<16xi32>
    %add3A_259 = vector.broadcast %select_n3A : i32 to vector<16xi32>
    %add3A_260 = arith.addi %mul3A_258, %add3A_259 : vector<16xi32>
    %gather3A_261 = tpu.vector_load_idx %arg15[%add3A_260] : memref<16384xi32, #tpu.memory_space<vmem>>[vector<16xi32>], vector<16xi32>,
    %swap3A_262 = arith.constant 352 : index
    %swap3A_263 = tpu.vector_load %arg12[%swap3A_262] {strides = array<i32>} : memref<512xi32, #tpu.memory_space<vmem>>, vector<16xi32>,
    tpu.vector_store %arg12[%swap3A_262], %gather3A_261 {strides = array<i32>} : memref<512xi32, #tpu.memory_space<vmem>>, vector<16xi32>,
    %get3A_264 = arith.constant 368 : index
    %get3A_265 = tpu.vector_load %arg11[%get3A_264] {strides = array<i32>} : memref<512xi32, #tpu.memory_space<vmem>>, vector<16xi32>,
    %mul3A_266 = arith.constant 4 : i32
    %mul3A_267 = vector.broadcast %mul3A_266 : i32 to vector<16xi32>
    %mul3A_268 = arith.muli %get3A_265, %mul3A_267 : vector<16xi32>
    %add3A_269 = vector.broadcast %select_n3A : i32 to vector<16xi32>
    %add3A_270 = arith.addi %mul3A_268, %add3A_269 : vector<16xi32>
    %gather3A_271 = tpu.vector_load_idx %arg15[%add3A_270] : memref<16384xi32, #tpu.memory_space<vmem>>[vector<16xi32>], vector<16xi32>,
    %swap3A_272 = arith.constant 368 : index
    %swap3A_273 = tpu.vector_load %arg12[%swap3A_272] {strides = array<i32>} : memref<512xi32, #tpu.memory_space<vmem>>, vector<16xi32>,
    tpu.vector_store %arg12[%swap3A_272], %gather3A_271 {strides = array<i32>} : memref<512xi32, #tpu.memory_space<vmem>>, vector<16xi32>,
    %get3A_274 = arith.constant 384 : index
    %get3A_275 = tpu.vector_load %arg11[%get3A_274] {strides = array<i32>} : memref<512xi32, #tpu.memory_space<vmem>>, vector<16xi32>,
    %mul3A_276 = arith.constant 4 : i32
    %mul3A_277 = vector.broadcast %mul3A_276 : i32 to vector<16xi32>
    %mul3A_278 = arith.muli %get3A_275, %mul3A_277 : vector<16xi32>
    %add3A_279 = vector.broadcast %select_n3A : i32 to vector<16xi32>
    %add3A_280 = arith.addi %mul3A_278, %add3A_279 : vector<16xi32>
    %gather3A_281 = tpu.vector_load_idx %arg15[%add3A_280] : memref<16384xi32, #tpu.memory_space<vmem>>[vector<16xi32>], vector<16xi32>,
    %swap3A_282 = arith.constant 384 : index
    %swap3A_283 = tpu.vector_load %arg12[%swap3A_282] {strides = array<i32>} : memref<512xi32, #tpu.memory_space<vmem>>, vector<16xi32>,
    tpu.vector_store %arg12[%swap3A_282], %gather3A_281 {strides = array<i32>} : memref<512xi32, #tpu.memory_space<vmem>>, vector<16xi32>,
    %get3A_284 = arith.constant 400 : index
    %get3A_285 = tpu.vector_load %arg11[%get3A_284] {strides = array<i32>} : memref<512xi32, #tpu.memory_space<vmem>>, vector<16xi32>,
    %mul3A_286 = arith.constant 4 : i32
    %mul3A_287 = vector.broadcast %mul3A_286 : i32 to vector<16xi32>
    %mul3A_288 = arith.muli %get3A_285, %mul3A_287 : vector<16xi32>
    %add3A_289 = vector.broadcast %select_n3A : i32 to vector<16xi32>
    %add3A_290 = arith.addi %mul3A_288, %add3A_289 : vector<16xi32>
    %gather3A_291 = tpu.vector_load_idx %arg15[%add3A_290] : memref<16384xi32, #tpu.memory_space<vmem>>[vector<16xi32>], vector<16xi32>,
    %swap3A_292 = arith.constant 400 : index
    %swap3A_293 = tpu.vector_load %arg12[%swap3A_292] {strides = array<i32>} : memref<512xi32, #tpu.memory_space<vmem>>, vector<16xi32>,
    tpu.vector_store %arg12[%swap3A_292], %gather3A_291 {strides = array<i32>} : memref<512xi32, #tpu.memory_space<vmem>>, vector<16xi32>,
    %get3A_294 = arith.constant 416 : index
    %get3A_295 = tpu.vector_load %arg11[%get3A_294] {strides = array<i32>} : memref<512xi32, #tpu.memory_space<vmem>>, vector<16xi32>,
    %mul3A_296 = arith.constant 4 : i32
    %mul3A_297 = vector.broadcast %mul3A_296 : i32 to vector<16xi32>
    %mul3A_298 = arith.muli %get3A_295, %mul3A_297 : vector<16xi32>
    %add3A_299 = vector.broadcast %select_n3A : i32 to vector<16xi32>
    %add3A_300 = arith.addi %mul3A_298, %add3A_299 : vector<16xi32>
    %gather3A_301 = tpu.vector_load_idx %arg15[%add3A_300] : memref<16384xi32, #tpu.memory_space<vmem>>[vector<16xi32>], vector<16xi32>,
    %swap3A_302 = arith.constant 416 : index
    %swap3A_303 = tpu.vector_load %arg12[%swap3A_302] {strides = array<i32>} : memref<512xi32, #tpu.memory_space<vmem>>, vector<16xi32>,
    tpu.vector_store %arg12[%swap3A_302], %gather3A_301 {strides = array<i32>} : memref<512xi32, #tpu.memory_space<vmem>>, vector<16xi32>,
    %get3A_304 = arith.constant 432 : index
    %get3A_305 = tpu.vector_load %arg11[%get3A_304] {strides = array<i32>} : memref<512xi32, #tpu.memory_space<vmem>>, vector<16xi32>,
    %mul3A_306 = arith.constant 4 : i32
    %mul3A_307 = vector.broadcast %mul3A_306 : i32 to vector<16xi32>
    %mul3A_308 = arith.muli %get3A_305, %mul3A_307 : vector<16xi32>
    %add3A_309 = vector.broadcast %select_n3A : i32 to vector<16xi32>
    %add3A_310 = arith.addi %mul3A_308, %add3A_309 : vector<16xi32>
    %gather3A_311 = tpu.vector_load_idx %arg15[%add3A_310] : memref<16384xi32, #tpu.memory_space<vmem>>[vector<16xi32>], vector<16xi32>,
    %swap3A_312 = arith.constant 432 : index
    %swap3A_313 = tpu.vector_load %arg12[%swap3A_312] {strides = array<i32>} : memref<512xi32, #tpu.memory_space<vmem>>, vector<16xi32>,
    tpu.vector_store %arg12[%swap3A_312], %gather3A_311 {strides = array<i32>} : memref<512xi32, #tpu.memory_space<vmem>>, vector<16xi32>,
    %get3A_314 = arith.constant 448 : index
    %get3A_315 = tpu.vector_load %arg11[%get3A_314] {strides = array<i32>} : memref<512xi32, #tpu.memory_space<vmem>>, vector<16xi32>,
    %mul3A_316 = arith.constant 4 : i32
    %mul3A_317 = vector.broadcast %mul3A_316 : i32 to vector<16xi32>
    %mul3A_318 = arith.muli %get3A_315, %mul3A_317 : vector<16xi32>
    %add3A_319 = vector.broadcast %select_n3A : i32 to vector<16xi32>
    %add3A_320 = arith.addi %mul3A_318, %add3A_319 : vector<16xi32>
    %gather3A_321 = tpu.vector_load_idx %arg15[%add3A_320] : memref<16384xi32, #tpu.memory_space<vmem>>[vector<16xi32>], vector<16xi32>,
    %swap3A_322 = arith.constant 448 : index
    %swap3A_323 = tpu.vector_load %arg12[%swap3A_322] {strides = array<i32>} : memref<512xi32, #tpu.memory_space<vmem>>, vector<16xi32>,
    tpu.vector_store %arg12[%swap3A_322], %gather3A_321 {strides = array<i32>} : memref<512xi32, #tpu.memory_space<vmem>>, vector<16xi32>,
    %get3A_324 = arith.constant 464 : index
    %get3A_325 = tpu.vector_load %arg11[%get3A_324] {strides = array<i32>} : memref<512xi32, #tpu.memory_space<vmem>>, vector<16xi32>,
    %mul3A_326 = arith.constant 4 : i32
    %mul3A_327 = vector.broadcast %mul3A_326 : i32 to vector<16xi32>
    %mul3A_328 = arith.muli %get3A_325, %mul3A_327 : vector<16xi32>
    %add3A_329 = vector.broadcast %select_n3A : i32 to vector<16xi32>
    %add3A_330 = arith.addi %mul3A_328, %add3A_329 : vector<16xi32>
    %gather3A_331 = tpu.vector_load_idx %arg15[%add3A_330] : memref<16384xi32, #tpu.memory_space<vmem>>[vector<16xi32>], vector<16xi32>,
    %swap3A_332 = arith.constant 464 : index
    %swap3A_333 = tpu.vector_load %arg12[%swap3A_332] {strides = array<i32>} : memref<512xi32, #tpu.memory_space<vmem>>, vector<16xi32>,
    tpu.vector_store %arg12[%swap3A_332], %gather3A_331 {strides = array<i32>} : memref<512xi32, #tpu.memory_space<vmem>>, vector<16xi32>,
    %get3A_334 = arith.constant 480 : index
    %get3A_335 = tpu.vector_load %arg11[%get3A_334] {strides = array<i32>} : memref<512xi32, #tpu.memory_space<vmem>>, vector<16xi32>,
    %mul3A_336 = arith.constant 4 : i32
    %mul3A_337 = vector.broadcast %mul3A_336 : i32 to vector<16xi32>
    %mul3A_338 = arith.muli %get3A_335, %mul3A_337 : vector<16xi32>
    %add3A_339 = vector.broadcast %select_n3A : i32 to vector<16xi32>
    %add3A_340 = arith.addi %mul3A_338, %add3A_339 : vector<16xi32>
    %gather3A_341 = tpu.vector_load_idx %arg15[%add3A_340] : memref<16384xi32, #tpu.memory_space<vmem>>[vector<16xi32>], vector<16xi32>,
    %swap3A_342 = arith.constant 480 : index
    %swap3A_343 = tpu.vector_load %arg12[%swap3A_342] {strides = array<i32>} : memref<512xi32, #tpu.memory_space<vmem>>, vector<16xi32>,
    tpu.vector_store %arg12[%swap3A_342], %gather3A_341 {strides = array<i32>} : memref<512xi32, #tpu.memory_space<vmem>>, vector<16xi32>,
    %get3A_344 = arith.constant 496 : index
    %get3A_345 = tpu.vector_load %arg11[%get3A_344] {strides = array<i32>} : memref<512xi32, #tpu.memory_space<vmem>>, vector<16xi32>,
    %mul3A_346 = arith.constant 4 : i32
    %mul3A_347 = vector.broadcast %mul3A_346 : i32 to vector<16xi32>
    %mul3A_348 = arith.muli %get3A_345, %mul3A_347 : vector<16xi32>
    %add3A_349 = vector.broadcast %select_n3A : i32 to vector<16xi32>
    %add3A_350 = arith.addi %mul3A_348, %add3A_349 : vector<16xi32>
    %gather3A_351 = tpu.vector_load_idx %arg15[%add3A_350] : memref<16384xi32, #tpu.memory_space<vmem>>[vector<16xi32>], vector<16xi32>,
    %swap3A_352 = arith.constant 496 : index
    %swap3A_353 = tpu.vector_load %arg12[%swap3A_352] {strides = array<i32>} : memref<512xi32, #tpu.memory_space<vmem>>, vector<16xi32>,
    tpu.vector_store %arg12[%swap3A_352], %gather3A_351 {strides = array<i32>} : memref<512xi32, #tpu.memory_space<vmem>>, vector<16xi32>,
    %mul3A_354 = arith.constant 4096 : i32
    %mul3A_355 = arith.muli %select_n3A, %mul3A_354 : i32
    %add3A_356 = arith.addi %mul3A_355, %mul3A_32 : i32
    %add3A_357 = arith.constant 0 : i32
    %add3A_358 = arith.addi %add3A_356, %add3A_357 : i32
    %mul3A_359 = arith.constant 4096 : i32
    %mul3A_360 = arith.muli %select_n3A, %mul3A_359 : i32
    %add3A_361 = arith.addi %mul3A_360, %mul3A_32 : i32
    %add3A_362 = arith.constant 128 : i32
    %add3A_363 = arith.addi %add3A_361, %add3A_362 : i32
    %mul3A_364 = arith.constant 4096 : i32
    %mul3A_365 = arith.muli %select_n3A, %mul3A_364 : i32
    %add3A_366 = arith.addi %mul3A_365, %mul3A_32 : i32
    %add3A_367 = arith.constant 256 : i32
    %add3A_368 = arith.addi %add3A_366, %add3A_367 : i32
    %mul3A_369 = arith.constant 4096 : i32
    %mul3A_370 = arith.muli %select_n3A, %mul3A_369 : i32
    %add3A_371 = arith.addi %mul3A_370, %mul3A_32 : i32
    %add3A_372 = arith.constant 384 : i32
    %add3A_373 = arith.addi %add3A_371, %add3A_372 : i32
    %mul3A_374 = arith.constant 128 : i32
    %mul3A_375 = arith.muli %add3A, %mul3A_374 : i32
    %mul3A_376 = arith.constant 128 : i32
    %mul3A_377 = arith.muli %add3A, %mul3A_376 : i32
    %dma_start3A = arith.constant 0 : i32
    %dma_start3A_378 = tpu.memref_slice %arg12[%dma_start3A] : memref<512xi32, #tpu.memory_space<vmem>> -> memref<128xi32, #tpu.memory_space<vmem>>
    %dma_start3A_379 = arith.constant 0 : i32
    %dma_start3A_380 = arith.constant 0 : i32
    %dma_start3A_381 = tpu.memref_slice %arg5[%dma_start3A_379, %dma_start3A_380] : memref<100000x128xf32, #tpu.memory_space<hbm>> -> memref<100000x128xf32, #tpu.memory_space<hbm>>
    tpu.enqueue_indirect_dma source(%dma_start3A_381 : memref<100000x128xf32, #tpu.memory_space<hbm>>) target(%arg16 : memref<128x128xf32, #tpu.memory_space<vmem>>) offsets(%dma_start3A_378 : memref<128xi32, #tpu.memory_space<vmem>>) semaphore(%arg18 : memref<!tpu.dma_semaphore, #tpu.memory_space<semaphore_mem>>)
    %dma_start3A_382 = arith.constant 128 : i32
    %dma_start3A_383 = tpu.memref_slice %arg12[%dma_start3A_382] : memref<512xi32, #tpu.memory_space<vmem>> -> memref<128xi32, #tpu.memory_space<vmem>>
    %dma_start3A_384 = arith.constant 0 : i32
    %dma_start3A_385 = arith.constant 0 : i32
    %dma_start3A_386 = tpu.memref_slice %arg5[%dma_start3A_384, %dma_start3A_385] : memref<100000x128xf32, #tpu.memory_space<hbm>> -> memref<100000x128xf32, #tpu.memory_space<hbm>>
    tpu.enqueue_indirect_dma source(%dma_start3A_386 : memref<100000x128xf32, #tpu.memory_space<hbm>>) target(%arg17 : memref<128x128xf32, #tpu.memory_space<vmem>>) offsets(%dma_start3A_383 : memref<128xi32, #tpu.memory_space<vmem>>) semaphore(%arg19 : memref<!tpu.dma_semaphore, #tpu.memory_space<semaphore_mem>>)
    %dma_wait3A = arith.constant 0 : i32
    %dma_wait3A_387 = tpu.memref_slice %arg12[%dma_wait3A] : memref<512xi32, #tpu.memory_space<vmem>> -> memref<128xi32, #tpu.memory_space<vmem>>
    %dma_wait3A_388 = arith.constant 0 : i32
    %dma_wait3A_389 = arith.constant 0 : i32
    %dma_wait3A_390 = tpu.memref_slice %arg5[%dma_wait3A_388, %dma_wait3A_389] : memref<100000x128xf32, #tpu.memory_space<hbm>> -> memref<100000x128xf32, #tpu.memory_space<hbm>>
    tpu.wait_indirect_dma semaphore(%arg18 : memref<!tpu.dma_semaphore, #tpu.memory_space<semaphore_mem>>) src(%dma_wait3A_390 : memref<100000x128xf32, #tpu.memory_space<hbm>>) dst(%arg16 : memref<128x128xf32, #tpu.memory_space<vmem>>)
    "tpu.region"() ({
      %run_scoped3A = tpu.sem_alloc : memref<!tpu.dma_semaphore, #tpu.memory_space<semaphore_mem>>
      %dma_start3A_428 = arith.constant 0 : i32
      %dma_start3A_429 = tpu.memref_slice %arg8[%add3A_358, %dma_start3A_428] : memref<16512x128xf32, #tpu.memory_space<hbm>> -> memref<128x128xf32, #tpu.memory_space<hbm>>
      %dma_start3A_430 = arith.constant 0 : i32
      %dma_start3A_431 = tpu.memref_slice %arg8[%add3A_358, %dma_start3A_430] : memref<16512x128xf32, #tpu.memory_space<hbm>> -> memref<128x128xf32, #tpu.memory_space<hbm>>
      tpu.enqueue_dma source(%arg16 : memref<128x128xf32, #tpu.memory_space<vmem>>) target(%dma_start3A_431 : memref<128x128xf32, #tpu.memory_space<hbm>>) target_semaphore(%run_scoped3A : memref<!tpu.dma_semaphore, #tpu.memory_space<semaphore_mem>>)
      %dma_wait3A_432 = arith.constant 0 : i32
      %dma_wait3A_433 = tpu.memref_slice %arg8[%add3A_358, %dma_wait3A_432] : memref<16512x128xf32, #tpu.memory_space<hbm>> -> memref<128x128xf32, #tpu.memory_space<hbm>>
      %dma_wait3A_434 = arith.constant 0 : i32
      %dma_wait3A_435 = tpu.memref_slice %arg8[%add3A_358, %dma_wait3A_434] : memref<16512x128xf32, #tpu.memory_space<hbm>> -> memref<128x128xf32, #tpu.memory_space<hbm>>
      tpu.wait_dma2 semaphore(%run_scoped3A : memref<!tpu.dma_semaphore, #tpu.memory_space<semaphore_mem>>) src(%arg16 : memref<128x128xf32, #tpu.memory_space<vmem>>) dst(%dma_wait3A_435 : memref<128x128xf32, #tpu.memory_space<hbm>>)
      tpu.yield
    }) : () -> ()
    %dma_start3A_391 = arith.constant 256 : i32
    %dma_start3A_392 = tpu.memref_slice %arg12[%dma_start3A_391] : memref<512xi32, #tpu.memory_space<vmem>> -> memref<128xi32, #tpu.memory_space<vmem>>
    %dma_start3A_393 = arith.constant 0 : i32
    %dma_start3A_394 = arith.constant 0 : i32
    %dma_start3A_395 = tpu.memref_slice %arg5[%dma_start3A_393, %dma_start3A_394] : memref<100000x128xf32, #tpu.memory_space<hbm>> -> memref<100000x128xf32, #tpu.memory_space<hbm>>
    tpu.enqueue_indirect_dma source(%dma_start3A_395 : memref<100000x128xf32, #tpu.memory_space<hbm>>) target(%arg16 : memref<128x128xf32, #tpu.memory_space<vmem>>) offsets(%dma_start3A_392 : memref<128xi32, #tpu.memory_space<vmem>>) semaphore(%arg18 : memref<!tpu.dma_semaphore, #tpu.memory_space<semaphore_mem>>)
    %dma_wait3A_396 = arith.constant 128 : i32
    %dma_wait3A_397 = tpu.memref_slice %arg12[%dma_wait3A_396] : memref<512xi32, #tpu.memory_space<vmem>> -> memref<128xi32, #tpu.memory_space<vmem>>
    %dma_wait3A_398 = arith.constant 0 : i32
    %dma_wait3A_399 = arith.constant 0 : i32
    %dma_wait3A_400 = tpu.memref_slice %arg5[%dma_wait3A_398, %dma_wait3A_399] : memref<100000x128xf32, #tpu.memory_space<hbm>> -> memref<100000x128xf32, #tpu.memory_space<hbm>>
    tpu.wait_indirect_dma semaphore(%arg19 : memref<!tpu.dma_semaphore, #tpu.memory_space<semaphore_mem>>) src(%dma_wait3A_400 : memref<100000x128xf32, #tpu.memory_space<hbm>>) dst(%arg17 : memref<128x128xf32, #tpu.memory_space<vmem>>)
    "tpu.region"() ({
      %run_scoped3A = tpu.sem_alloc : memref<!tpu.dma_semaphore, #tpu.memory_space<semaphore_mem>>
      %dma_start3A_428 = arith.constant 0 : i32
      %dma_start3A_429 = tpu.memref_slice %arg8[%add3A_363, %dma_start3A_428] : memref<16512x128xf32, #tpu.memory_space<hbm>> -> memref<128x128xf32, #tpu.memory_space<hbm>>
      %dma_start3A_430 = arith.constant 0 : i32
      %dma_start3A_431 = tpu.memref_slice %arg8[%add3A_363, %dma_start3A_430] : memref<16512x128xf32, #tpu.memory_space<hbm>> -> memref<128x128xf32, #tpu.memory_space<hbm>>
      tpu.enqueue_dma source(%arg17 : memref<128x128xf32, #tpu.memory_space<vmem>>) target(%dma_start3A_431 : memref<128x128xf32, #tpu.memory_space<hbm>>) target_semaphore(%run_scoped3A : memref<!tpu.dma_semaphore, #tpu.memory_space<semaphore_mem>>)
      %dma_wait3A_432 = arith.constant 0 : i32
      %dma_wait3A_433 = tpu.memref_slice %arg8[%add3A_363, %dma_wait3A_432] : memref<16512x128xf32, #tpu.memory_space<hbm>> -> memref<128x128xf32, #tpu.memory_space<hbm>>
      %dma_wait3A_434 = arith.constant 0 : i32
      %dma_wait3A_435 = tpu.memref_slice %arg8[%add3A_363, %dma_wait3A_434] : memref<16512x128xf32, #tpu.memory_space<hbm>> -> memref<128x128xf32, #tpu.memory_space<hbm>>
      tpu.wait_dma2 semaphore(%run_scoped3A : memref<!tpu.dma_semaphore, #tpu.memory_space<semaphore_mem>>) src(%arg17 : memref<128x128xf32, #tpu.memory_space<vmem>>) dst(%dma_wait3A_435 : memref<128x128xf32, #tpu.memory_space<hbm>>)
      tpu.yield
    }) : () -> ()
    %dma_start3A_401 = arith.constant 384 : i32
    %dma_start3A_402 = tpu.memref_slice %arg12[%dma_start3A_401] : memref<512xi32, #tpu.memory_space<vmem>> -> memref<128xi32, #tpu.memory_space<vmem>>
    %dma_start3A_403 = arith.constant 0 : i32
    %dma_start3A_404 = arith.constant 0 : i32
    %dma_start3A_405 = tpu.memref_slice %arg5[%dma_start3A_403, %dma_start3A_404] : memref<100000x128xf32, #tpu.memory_space<hbm>> -> memref<100000x128xf32, #tpu.memory_space<hbm>>
    tpu.enqueue_indirect_dma source(%dma_start3A_405 : memref<100000x128xf32, #tpu.memory_space<hbm>>) target(%arg17 : memref<128x128xf32, #tpu.memory_space<vmem>>) offsets(%dma_start3A_402 : memref<128xi32, #tpu.memory_space<vmem>>) semaphore(%arg19 : memref<!tpu.dma_semaphore, #tpu.memory_space<semaphore_mem>>)
    %dma_wait3A_406 = arith.constant 256 : i32
    %dma_wait3A_407 = tpu.memref_slice %arg12[%dma_wait3A_406] : memref<512xi32, #tpu.memory_space<vmem>> -> memref<128xi32, #tpu.memory_space<vmem>>
    %dma_wait3A_408 = arith.constant 0 : i32
    %dma_wait3A_409 = arith.constant 0 : i32
    %dma_wait3A_410 = tpu.memref_slice %arg5[%dma_wait3A_408, %dma_wait3A_409] : memref<100000x128xf32, #tpu.memory_space<hbm>> -> memref<100000x128xf32, #tpu.memory_space<hbm>>
    tpu.wait_indirect_dma semaphore(%arg18 : memref<!tpu.dma_semaphore, #tpu.memory_space<semaphore_mem>>) src(%dma_wait3A_410 : memref<100000x128xf32, #tpu.memory_space<hbm>>) dst(%arg16 : memref<128x128xf32, #tpu.memory_space<vmem>>)
    "tpu.region"() ({
      %run_scoped3A = tpu.sem_alloc : memref<!tpu.dma_semaphore, #tpu.memory_space<semaphore_mem>>
      %dma_start3A_428 = arith.constant 0 : i32
      %dma_start3A_429 = tpu.memref_slice %arg8[%add3A_368, %dma_start3A_428] : memref<16512x128xf32, #tpu.memory_space<hbm>> -> memref<128x128xf32, #tpu.memory_space<hbm>>
      %dma_start3A_430 = arith.constant 0 : i32
      %dma_start3A_431 = tpu.memref_slice %arg8[%add3A_368, %dma_start3A_430] : memref<16512x128xf32, #tpu.memory_space<hbm>> -> memref<128x128xf32, #tpu.memory_space<hbm>>
      tpu.enqueue_dma source(%arg16 : memref<128x128xf32, #tpu.memory_space<vmem>>) target(%dma_start3A_431 : memref<128x128xf32, #tpu.memory_space<hbm>>) target_semaphore(%run_scoped3A : memref<!tpu.dma_semaphore, #tpu.memory_space<semaphore_mem>>)
      %dma_wait3A_432 = arith.constant 0 : i32
      %dma_wait3A_433 = tpu.memref_slice %arg8[%add3A_368, %dma_wait3A_432] : memref<16512x128xf32, #tpu.memory_space<hbm>> -> memref<128x128xf32, #tpu.memory_space<hbm>>
      %dma_wait3A_434 = arith.constant 0 : i32
      %dma_wait3A_435 = tpu.memref_slice %arg8[%add3A_368, %dma_wait3A_434] : memref<16512x128xf32, #tpu.memory_space<hbm>> -> memref<128x128xf32, #tpu.memory_space<hbm>>
      tpu.wait_dma2 semaphore(%run_scoped3A : memref<!tpu.dma_semaphore, #tpu.memory_space<semaphore_mem>>) src(%arg16 : memref<128x128xf32, #tpu.memory_space<vmem>>) dst(%dma_wait3A_435 : memref<128x128xf32, #tpu.memory_space<hbm>>)
      tpu.yield
    }) : () -> ()
    %dma_start3A_411 = arith.constant 0 : i32
    %dma_start3A_412 = arith.constant 0 : i32
    %dma_start3A_413 = tpu.memref_slice %arg6[%dma_start3A_411, %dma_start3A_412] : memref<100000x128xf32, #tpu.memory_space<hbm>> -> memref<100000x128xf32, #tpu.memory_space<hbm>>
    tpu.enqueue_indirect_dma source(%dma_start3A_413 : memref<100000x128xf32, #tpu.memory_space<hbm>>) target(%arg16 : memref<128x128xf32, #tpu.memory_space<vmem>>) offsets(%arg13 : memref<128xi32, #tpu.memory_space<vmem>>) semaphore(%arg18 : memref<!tpu.dma_semaphore, #tpu.memory_space<semaphore_mem>>)
    %dma_wait3A_414 = arith.constant 384 : i32
    %dma_wait3A_415 = tpu.memref_slice %arg12[%dma_wait3A_414] : memref<512xi32, #tpu.memory_space<vmem>> -> memref<128xi32, #tpu.memory_space<vmem>>
    %dma_wait3A_416 = arith.constant 0 : i32
    %dma_wait3A_417 = arith.constant 0 : i32
    %dma_wait3A_418 = tpu.memref_slice %arg5[%dma_wait3A_416, %dma_wait3A_417] : memref<100000x128xf32, #tpu.memory_space<hbm>> -> memref<100000x128xf32, #tpu.memory_space<hbm>>
    tpu.wait_indirect_dma semaphore(%arg19 : memref<!tpu.dma_semaphore, #tpu.memory_space<semaphore_mem>>) src(%dma_wait3A_418 : memref<100000x128xf32, #tpu.memory_space<hbm>>) dst(%arg17 : memref<128x128xf32, #tpu.memory_space<vmem>>)
    "tpu.region"() ({
      %run_scoped3A = tpu.sem_alloc : memref<!tpu.dma_semaphore, #tpu.memory_space<semaphore_mem>>
      %dma_start3A_428 = arith.constant 0 : i32
      %dma_start3A_429 = tpu.memref_slice %arg8[%add3A_373, %dma_start3A_428] : memref<16512x128xf32, #tpu.memory_space<hbm>> -> memref<128x128xf32, #tpu.memory_space<hbm>>
      %dma_start3A_430 = arith.constant 0 : i32
      %dma_start3A_431 = tpu.memref_slice %arg8[%add3A_373, %dma_start3A_430] : memref<16512x128xf32, #tpu.memory_space<hbm>> -> memref<128x128xf32, #tpu.memory_space<hbm>>
      tpu.enqueue_dma source(%arg17 : memref<128x128xf32, #tpu.memory_space<vmem>>) target(%dma_start3A_431 : memref<128x128xf32, #tpu.memory_space<hbm>>) target_semaphore(%run_scoped3A : memref<!tpu.dma_semaphore, #tpu.memory_space<semaphore_mem>>)
      %dma_wait3A_432 = arith.constant 0 : i32
      %dma_wait3A_433 = tpu.memref_slice %arg8[%add3A_373, %dma_wait3A_432] : memref<16512x128xf32, #tpu.memory_space<hbm>> -> memref<128x128xf32, #tpu.memory_space<hbm>>
      %dma_wait3A_434 = arith.constant 0 : i32
      %dma_wait3A_435 = tpu.memref_slice %arg8[%add3A_373, %dma_wait3A_434] : memref<16512x128xf32, #tpu.memory_space<hbm>> -> memref<128x128xf32, #tpu.memory_space<hbm>>
      tpu.wait_dma2 semaphore(%run_scoped3A : memref<!tpu.dma_semaphore, #tpu.memory_space<semaphore_mem>>) src(%arg17 : memref<128x128xf32, #tpu.memory_space<vmem>>) dst(%dma_wait3A_435 : memref<128x128xf32, #tpu.memory_space<hbm>>)
      tpu.yield
    }) : () -> ()
    %dma_start3A_419 = arith.constant 0 : i32
    %dma_start3A_420 = arith.constant 0 : i32
    %dma_start3A_421 = tpu.memref_slice %arg7[%dma_start3A_419, %dma_start3A_420] : memref<4096x128xf32, #tpu.memory_space<hbm>> -> memref<4096x128xf32, #tpu.memory_space<hbm>>
    tpu.enqueue_indirect_dma source(%dma_start3A_421 : memref<4096x128xf32, #tpu.memory_space<hbm>>) target(%arg17 : memref<128x128xf32, #tpu.memory_space<vmem>>) offsets(%arg14 : memref<128xi32, #tpu.memory_space<vmem>>) semaphore(%arg19 : memref<!tpu.dma_semaphore, #tpu.memory_space<semaphore_mem>>)
    %dma_wait3A_422 = arith.constant 0 : i32
    %dma_wait3A_423 = arith.constant 0 : i32
    %dma_wait3A_424 = tpu.memref_slice %arg6[%dma_wait3A_422, %dma_wait3A_423] : memref<100000x128xf32, #tpu.memory_space<hbm>> -> memref<100000x128xf32, #tpu.memory_space<hbm>>
    tpu.wait_indirect_dma semaphore(%arg18 : memref<!tpu.dma_semaphore, #tpu.memory_space<semaphore_mem>>) src(%dma_wait3A_424 : memref<100000x128xf32, #tpu.memory_space<hbm>>) dst(%arg16 : memref<128x128xf32, #tpu.memory_space<vmem>>)
    "tpu.region"() ({
      %run_scoped3A = tpu.sem_alloc : memref<!tpu.dma_semaphore, #tpu.memory_space<semaphore_mem>>
      %dma_start3A_428 = arith.constant 0 : i32
      %dma_start3A_429 = tpu.memref_slice %arg9[%mul3A_375, %dma_start3A_428] : memref<4224x128xf32, #tpu.memory_space<hbm>> -> memref<128x128xf32, #tpu.memory_space<hbm>>
      %dma_start3A_430 = arith.constant 0 : i32
      %dma_start3A_431 = tpu.memref_slice %arg9[%mul3A_375, %dma_start3A_430] : memref<4224x128xf32, #tpu.memory_space<hbm>> -> memref<128x128xf32, #tpu.memory_space<hbm>>
      tpu.enqueue_dma source(%arg16 : memref<128x128xf32, #tpu.memory_space<vmem>>) target(%dma_start3A_431 : memref<128x128xf32, #tpu.memory_space<hbm>>) target_semaphore(%run_scoped3A : memref<!tpu.dma_semaphore, #tpu.memory_space<semaphore_mem>>)
      %dma_wait3A_432 = arith.constant 0 : i32
      %dma_wait3A_433 = tpu.memref_slice %arg9[%mul3A_375, %dma_wait3A_432] : memref<4224x128xf32, #tpu.memory_space<hbm>> -> memref<128x128xf32, #tpu.memory_space<hbm>>
      %dma_wait3A_434 = arith.constant 0 : i32
      %dma_wait3A_435 = tpu.memref_slice %arg9[%mul3A_375, %dma_wait3A_434] : memref<4224x128xf32, #tpu.memory_space<hbm>> -> memref<128x128xf32, #tpu.memory_space<hbm>>
      tpu.wait_dma2 semaphore(%run_scoped3A : memref<!tpu.dma_semaphore, #tpu.memory_space<semaphore_mem>>) src(%arg16 : memref<128x128xf32, #tpu.memory_space<vmem>>) dst(%dma_wait3A_435 : memref<128x128xf32, #tpu.memory_space<hbm>>)
      tpu.yield
    }) : () -> ()
    %dma_wait3A_425 = arith.constant 0 : i32
    %dma_wait3A_426 = arith.constant 0 : i32
    %dma_wait3A_427 = tpu.memref_slice %arg7[%dma_wait3A_425, %dma_wait3A_426] : memref<4096x128xf32, #tpu.memory_space<hbm>> -> memref<4096x128xf32, #tpu.memory_space<hbm>>
    tpu.wait_indirect_dma semaphore(%arg19 : memref<!tpu.dma_semaphore, #tpu.memory_space<semaphore_mem>>) src(%dma_wait3A_427 : memref<4096x128xf32, #tpu.memory_space<hbm>>) dst(%arg17 : memref<128x128xf32, #tpu.memory_space<vmem>>)
    "tpu.region"() ({
      %run_scoped3A = tpu.sem_alloc : memref<!tpu.dma_semaphore, #tpu.memory_space<semaphore_mem>>
      %dma_start3A_428 = arith.constant 0 : i32
      %dma_start3A_429 = tpu.memref_slice %arg10[%mul3A_377, %dma_start3A_428] : memref<4224x128xf32, #tpu.memory_space<hbm>> -> memref<128x128xf32, #tpu.memory_space<hbm>>
      %dma_start3A_430 = arith.constant 0 : i32
      %dma_start3A_431 = tpu.memref_slice %arg10[%mul3A_377, %dma_start3A_430] : memref<4224x128xf32, #tpu.memory_space<hbm>> -> memref<128x128xf32, #tpu.memory_space<hbm>>
      tpu.enqueue_dma source(%arg17 : memref<128x128xf32, #tpu.memory_space<vmem>>) target(%dma_start3A_431 : memref<128x128xf32, #tpu.memory_space<hbm>>) target_semaphore(%run_scoped3A : memref<!tpu.dma_semaphore, #tpu.memory_space<semaphore_mem>>)
      %dma_wait3A_432 = arith.constant 0 : i32
      %dma_wait3A_433 = tpu.memref_slice %arg10[%mul3A_377, %dma_wait3A_432] : memref<4224x128xf32, #tpu.memory_space<hbm>> -> memref<128x128xf32, #tpu.memory_space<hbm>>
      %dma_wait3A_434 = arith.constant 0 : i32
      %dma_wait3A_435 = tpu.memref_slice %arg10[%mul3A_377, %dma_wait3A_434] : memref<4224x128xf32, #tpu.memory_space<hbm>> -> memref<128x128xf32, #tpu.memory_space<hbm>>
      tpu.wait_dma2 semaphore(%run_scoped3A : memref<!tpu.dma_semaphore, #tpu.memory_space<semaphore_mem>>) src(%arg17 : memref<128x128xf32, #tpu.memory_space<vmem>>) dst(%dma_wait3A_435 : memref<128x128xf32, #tpu.memory_space<hbm>>)
      tpu.yield
    }) : () -> ()
    return
  }
}

module attributes {stable_mosaic.version = 14 : i64} {
  func.func @_tc_pad_body(%arg0: i32, %arg1: memref<64x4096xf32, #tpu.memory_space<vmem>>, %arg2: memref<64x64xf32, #tpu.memory_space<vmem>>, %arg3: memref<4096x128xf32, #tpu.memory_space<vmem>>) attributes {dimension_semantics = [#tpu.dimension_semantics<arbitrary>], iteration_bounds = array<i64: 1>, scalar_prefetch = 0 : i64, scratch_operands = 0 : i64, tpu.core_type = #tpu.core_type<tc>, window_params = [{transform_indices = @transform_0, window_bounds = array<i64: 64, 4096>}, {pipeline_mode = #tpu.pipeline_mode<synchronous>, transform_indices = @transform_1, window_bounds = array<i64: 64, 64>}, {transform_indices = @transform_2, window_bounds = array<i64: 4096, 128>}]} {
    %get3A = arith.constant 0 : index
    %get3A_0 = arith.constant 0 : index
    %get3A_1 = vector.load %arg1[%get3A, %get3A_0] : memref<64x4096xf32, #tpu.memory_space<vmem>>, vector<64x4096xf32>
    %get3A_2 = arith.constant 0 : index
    %get3A_3 = arith.constant 0 : index
    %get3A_4 = vector.load %arg2[%get3A_2, %get3A_3] : memref<64x64xf32, #tpu.memory_space<vmem>>, vector<64x64xf32>
    %dot_general3A = arith.constant dense<0.000000e+00> : vector<4096x64xf32>
    %dot_general3A_5 = tpu.matmul %get3A_1, %get3A_4, %dot_general3A {dimension_numbers = #tpu.dot_dimension_numbers<[0], [0], [1], [1], [0, 1, 1, 1], [], []>, transpose_lhs_hint = false} : vector<64x4096xf32>, vector<64x64xf32>, vector<4096x64xf32> -> vector<4096x64xf32>
    %swap3A = arith.constant 0 : index
    %swap3A_6 = arith.constant 0 : index
    %swap3A_7 = vector.load %arg3[%swap3A, %swap3A_6] : memref<4096x128xf32, #tpu.memory_space<vmem>>, vector<4096x64xf32>
    tpu.vector_store %arg3[%swap3A, %swap3A_6], %dot_general3A_5 {strides = array<i32>} : memref<4096x128xf32, #tpu.memory_space<vmem>>, vector<4096x64xf32>,
    return
  }
  func.func @transform_0(%arg0: i32) -> (i32, i32) {
    %c0_i32 = arith.constant 0 : i32
    %c0_i32_0 = arith.constant 0 : i32
    return %c0_i32, %arg0 : i32, i32
  }
  func.func @transform_1(%arg0: i32) -> (i32, i32) {
    %c0_i32 = arith.constant 0 : i32
    %c0_i32_0 = arith.constant 0 : i32
    %c0_i32_1 = arith.constant 0 : i32
    return %c0_i32, %c0_i32_0 : i32, i32
  }
  func.func @transform_2(%arg0: i32) -> (i32, i32) {
    %c0_i32 = arith.constant 0 : i32
    %c0_i32_0 = arith.constant 0 : i32
    return %arg0, %c0_i32 : i32, i32
  }
}

module attributes {stable_mosaic.version = 14 : i64} {
  func.func @_tc_pad_body(%arg0: i32, %arg1: memref<64x4096xf32, #tpu.memory_space<vmem>>, %arg2: memref<64x64xf32, #tpu.memory_space<vmem>>, %arg3: memref<4096x128xf32, #tpu.memory_space<vmem>>) attributes {dimension_semantics = [#tpu.dimension_semantics<arbitrary>], iteration_bounds = array<i64: 25>, scalar_prefetch = 0 : i64, scratch_operands = 0 : i64, tpu.core_type = #tpu.core_type<tc>, window_params = [{transform_indices = @transform_0, window_bounds = array<i64: 64, 4096>}, {pipeline_mode = #tpu.pipeline_mode<synchronous>, transform_indices = @transform_1, window_bounds = array<i64: 64, 64>}, {transform_indices = @transform_2, window_bounds = array<i64: 4096, 128>}]} {
    %get3A = arith.constant 0 : index
    %get3A_0 = arith.constant 0 : index
    %get3A_1 = vector.load %arg1[%get3A, %get3A_0] : memref<64x4096xf32, #tpu.memory_space<vmem>>, vector<64x4096xf32>
    %get3A_2 = arith.constant 0 : index
    %get3A_3 = arith.constant 0 : index
    %get3A_4 = vector.load %arg2[%get3A_2, %get3A_3] : memref<64x64xf32, #tpu.memory_space<vmem>>, vector<64x64xf32>
    %dot_general3A = arith.constant dense<0.000000e+00> : vector<4096x64xf32>
    %dot_general3A_5 = tpu.matmul %get3A_1, %get3A_4, %dot_general3A {dimension_numbers = #tpu.dot_dimension_numbers<[0], [0], [1], [1], [0, 1, 1, 1], [], []>, transpose_lhs_hint = false} : vector<64x4096xf32>, vector<64x64xf32>, vector<4096x64xf32> -> vector<4096x64xf32>
    %swap3A = arith.constant 0 : index
    %swap3A_6 = arith.constant 0 : index
    %swap3A_7 = vector.load %arg3[%swap3A, %swap3A_6] : memref<4096x128xf32, #tpu.memory_space<vmem>>, vector<4096x64xf32>
    tpu.vector_store %arg3[%swap3A, %swap3A_6], %dot_general3A_5 {strides = array<i32>} : memref<4096x128xf32, #tpu.memory_space<vmem>>, vector<4096x64xf32>,
    return
  }
  func.func @transform_0(%arg0: i32) -> (i32, i32) {
    %c0_i32 = arith.constant 0 : i32
    %c0_i32_0 = arith.constant 0 : i32
    return %c0_i32, %arg0 : i32, i32
  }
  func.func @transform_1(%arg0: i32) -> (i32, i32) {
    %c0_i32 = arith.constant 0 : i32
    %c0_i32_0 = arith.constant 0 : i32
    %c0_i32_1 = arith.constant 0 : i32
    return %c0_i32, %c0_i32_0 : i32, i32
  }
  func.func @transform_2(%arg0: i32) -> (i32, i32) {
    %c0_i32 = arith.constant 0 : i32
    %c0_i32_0 = arith.constant 0 : i32
    return %arg0, %c0_i32 : i32, i32
  }
}

module attributes {stable_mosaic.version = 14 : i64} {
  func.func @_tc_body(%arg0: i32, %arg1: memref<512x128xf32, #tpu.memory_space<vmem>>, %arg2: memref<512x128xf32, #tpu.memory_space<vmem>>, %arg3: memref<512x128xf32, #tpu.memory_space<vmem>>, %arg4: memref<512x128xf32, #tpu.memory_space<vmem>>, %arg5: memref<512x128xf32, #tpu.memory_space<vmem>>, %arg6: memref<512x128xf32, #tpu.memory_space<vmem>>, %arg7: memref<64x16xf32, #tpu.memory_space<vmem>>, %arg8: memref<64x16xf32, #tpu.memory_space<vmem>>, %arg9: memref<1x16xf32, #tpu.memory_space<vmem>>, %arg10: memref<16x1xf32, #tpu.memory_space<vmem>>, %arg11: memref<1x1xf32, #tpu.memory_space<vmem>>, %arg12: memref<1x2xf32, #tpu.memory_space<vmem>>, %arg13: memref<1x2xf32, #tpu.memory_space<vmem>>, %arg14: memref<192x8xf32, #tpu.memory_space<vmem>>, %arg15: memref<1x8xf32, #tpu.memory_space<vmem>>, %arg16: memref<8x1xf32, #tpu.memory_space<vmem>>, %arg17: memref<1x1xf32, #tpu.memory_space<vmem>>, %arg18: memref<512x1xf32, #tpu.memory_space<vmem>>, %arg19: memref<512x4xf32, #tpu.memory_space<vmem>>, %arg20: memref<512x1xf32, #tpu.memory_space<vmem>>) attributes {dimension_semantics = [#tpu.dimension_semantics<arbitrary>], iteration_bounds = array<i64: 8>, scalar_prefetch = 0 : i64, scratch_operands = 0 : i64, tpu.core_type = #tpu.core_type<tc>, window_params = [{transform_indices = @transform_0, window_bounds = array<i64: 512, 128>}, {transform_indices = @transform_1, window_bounds = array<i64: 512, 128>}, {transform_indices = @transform_2, window_bounds = array<i64: 512, 128>}, {transform_indices = @transform_3, window_bounds = array<i64: 512, 128>}, {transform_indices = @transform_4, window_bounds = array<i64: 512, 128>}, {transform_indices = @transform_5, window_bounds = array<i64: 512, 128>}, {pipeline_mode = #tpu.pipeline_mode<synchronous>, transform_indices = @transform_6, window_bounds = array<i64: 64, 16>}, {pipeline_mode = #tpu.pipeline_mode<synchronous>, transform_indices = @transform_7, window_bounds = array<i64: 64, 16>}, {pipeline_mode = #tpu.pipeline_mode<synchronous>, transform_indices = @transform_8, window_bounds = array<i64: 1, 16>}, {pipeline_mode = #tpu.pipeline_mode<synchronous>, transform_indices = @transform_9, window_bounds = array<i64: 16, 1>}, {pipeline_mode = #tpu.pipeline_mode<synchronous>, transform_indices = @transform_10, window_bounds = array<i64: 1, 1>}, {pipeline_mode = #tpu.pipeline_mode<synchronous>, transform_indices = @transform_11, window_bounds = array<i64: 1, 2>}, {pipeline_mode = #tpu.pipeline_mode<synchronous>, transform_indices = @transform_12, window_bounds = array<i64: 1, 2>}, {pipeline_mode = #tpu.pipeline_mode<synchronous>, transform_indices = @transform_13, window_bounds = array<i64: 192, 8>}, {pipeline_mode = #tpu.pipeline_mode<synchronous>, transform_indices = @transform_14, window_bounds = array<i64: 1, 8>}, {pipeline_mode = #tpu.pipeline_mode<synchronous>, transform_indices = @transform_15, window_bounds = array<i64: 8, 1>}, {pipeline_mode = #tpu.pipeline_mode<synchronous>, transform_indices = @transform_16, window_bounds = array<i64: 1, 1>}, {transform_indices = @transform_17, window_bounds = array<i64: 512, 1>}, {transform_indices = @transform_18, window_bounds = array<i64: 512, 4>}, {transform_indices = @transform_19, window_bounds = array<i64: 512, 1>}]} {
    %get3A = arith.constant 0 : index
    %get3A_0 = arith.constant 0 : index
    %get3A_1 = vector.load %arg1[%get3A, %get3A_0] : memref<512x128xf32, #tpu.memory_space<vmem>>, vector<512x128xf32>
    %slice3A = vector.extract_strided_slice %get3A_1 {offsets = [0, 0], sizes = [512, 64], strides = [1, 1]} : vector<512x128xf32> to vector<512x64xf32>
    %get3A_2 = arith.constant 0 : index
    %get3A_3 = arith.constant 0 : index
    %get3A_4 = vector.load %arg2[%get3A_2, %get3A_3] : memref<512x128xf32, #tpu.memory_space<vmem>>, vector<512x128xf32>
    %slice3A_5 = vector.extract_strided_slice %get3A_4 {offsets = [0, 0], sizes = [512, 64], strides = [1, 1]} : vector<512x128xf32> to vector<512x64xf32>
    %get3A_6 = arith.constant 0 : index
    %get3A_7 = arith.constant 0 : index
    %get3A_8 = vector.load %arg3[%get3A_6, %get3A_7] : memref<512x128xf32, #tpu.memory_space<vmem>>, vector<512x128xf32>
    %slice3A_9 = vector.extract_strided_slice %get3A_8 {offsets = [0, 0], sizes = [512, 64], strides = [1, 1]} : vector<512x128xf32> to vector<512x64xf32>
    %get3A_10 = arith.constant 0 : index
    %get3A_11 = arith.constant 0 : index
    %get3A_12 = vector.load %arg4[%get3A_10, %get3A_11] : memref<512x128xf32, #tpu.memory_space<vmem>>, vector<512x128xf32>
    %slice3A_13 = vector.extract_strided_slice %get3A_12 {offsets = [0, 0], sizes = [512, 64], strides = [1, 1]} : vector<512x128xf32> to vector<512x64xf32>
    %get3A_14 = arith.constant 0 : index
    %get3A_15 = arith.constant 0 : index
    %get3A_16 = vector.load %arg5[%get3A_14, %get3A_15] : memref<512x128xf32, #tpu.memory_space<vmem>>, vector<512x128xf32>
    %slice3A_17 = vector.extract_strided_slice %get3A_16 {offsets = [0, 0], sizes = [512, 64], strides = [1, 1]} : vector<512x128xf32> to vector<512x64xf32>
    %get3A_18 = arith.constant 0 : index
    %get3A_19 = arith.constant 0 : index
    %get3A_20 = vector.load %arg6[%get3A_18, %get3A_19] : memref<512x128xf32, #tpu.memory_space<vmem>>, vector<512x128xf32>
    %slice3A_21 = vector.extract_strided_slice %get3A_20 {offsets = [0, 0], sizes = [512, 64], strides = [1, 1]} : vector<512x128xf32> to vector<512x64xf32>
    %get3A_22 = arith.constant 0 : index
    %get3A_23 = arith.constant 0 : index
    %get3A_24 = vector.load %arg7[%get3A_22, %get3A_23] : memref<64x16xf32, #tpu.memory_space<vmem>>, vector<64x16xf32>
    %get3A_25 = arith.constant 0 : index
    %get3A_26 = arith.constant 0 : index
    %get3A_27 = vector.load %arg9[%get3A_25, %get3A_26] : memref<1x16xf32, #tpu.memory_space<vmem>>, vector<1x16xf32>
    %get3A_28 = arith.constant 0 : index
    %get3A_29 = arith.constant 0 : index
    %get3A_30 = vector.load %arg10[%get3A_28, %get3A_29] : memref<16x1xf32, #tpu.memory_space<vmem>>, vector<16x1xf32>
    %get3A_31 = arith.constant 0 : index
    %get3A_32 = arith.constant 0 : index
    %get3A_33 = vector.load %arg8[%get3A_31, %get3A_32] : memref<64x16xf32, #tpu.memory_space<vmem>>, vector<64x16xf32>
    %dot_general3A = arith.constant dense<0.000000e+00> : vector<512x16xf32>
    %dot_general3A_34 = tpu.matmul %slice3A_17, %get3A_33, %dot_general3A {dimension_numbers = #tpu.dot_dimension_numbers<[1], [0], [0], [1], [0, 0, 1, 1], [], []>, transpose_lhs_hint = false} : vector<512x64xf32>, vector<64x16xf32>, vector<512x16xf32> -> vector<512x16xf32>
    %add3A = vector.broadcast %get3A_27 : vector<1x16xf32> to vector<512x16xf32>
    %add3A_35 = arith.addf %dot_general3A_34, %add3A : vector<512x16xf32>
    %dot_general3A_36 = arith.constant dense<0.000000e+00> : vector<512x16xf32>
    %dot_general3A_37 = tpu.matmul %slice3A, %get3A_24, %dot_general3A_36 {dimension_numbers = #tpu.dot_dimension_numbers<[1], [0], [0], [1], [0, 0, 1, 1], [], []>, transpose_lhs_hint = false} : vector<512x64xf32>, vector<64x16xf32>, vector<512x16xf32> -> vector<512x16xf32>
    %add3A_38 = arith.addf %dot_general3A_37, %add3A_35 : vector<512x16xf32>
    %max3A = arith.constant 0.000000e+00 : f32
    %max3A_39 = vector.broadcast %max3A : f32 to vector<512x16xf32>
    %max3A_40 = arith.maximumf %add3A_38, %max3A_39 : vector<512x16xf32>
    %dot_general3A_41 = arith.constant dense<0.000000e+00> : vector<512x1xf32>
    %dot_general3A_42 = tpu.matmul %max3A_40, %get3A_30, %dot_general3A_41 {dimension_numbers = #tpu.dot_dimension_numbers<[1], [0], [0], [1], [0, 0, 1, 1], [], []>, transpose_lhs_hint = false} : vector<512x16xf32>, vector<16x1xf32>, vector<512x1xf32> -> vector<512x1xf32>
    %dot_general3A_43 = arith.constant dense<0.000000e+00> : vector<512x16xf32>
    %dot_general3A_44 = tpu.matmul %slice3A_5, %get3A_24, %dot_general3A_43 {dimension_numbers = #tpu.dot_dimension_numbers<[1], [0], [0], [1], [0, 0, 1, 1], [], []>, transpose_lhs_hint = false} : vector<512x64xf32>, vector<64x16xf32>, vector<512x16xf32> -> vector<512x16xf32>
    %add3A_45 = arith.addf %dot_general3A_44, %add3A_35 : vector<512x16xf32>
    %max3A_46 = arith.constant 0.000000e+00 : f32
    %max3A_47 = vector.broadcast %max3A_46 : f32 to vector<512x16xf32>
    %max3A_48 = arith.maximumf %add3A_45, %max3A_47 : vector<512x16xf32>
    %dot_general3A_49 = arith.constant dense<0.000000e+00> : vector<512x1xf32>
    %dot_general3A_50 = tpu.matmul %max3A_48, %get3A_30, %dot_general3A_49 {dimension_numbers = #tpu.dot_dimension_numbers<[1], [0], [0], [1], [0, 0, 1, 1], [], []>, transpose_lhs_hint = false} : vector<512x16xf32>, vector<16x1xf32>, vector<512x1xf32> -> vector<512x1xf32>
    %dot_general3A_51 = arith.constant dense<0.000000e+00> : vector<512x16xf32>
    %dot_general3A_52 = tpu.matmul %slice3A_9, %get3A_24, %dot_general3A_51 {dimension_numbers = #tpu.dot_dimension_numbers<[1], [0], [0], [1], [0, 0, 1, 1], [], []>, transpose_lhs_hint = false} : vector<512x64xf32>, vector<64x16xf32>, vector<512x16xf32> -> vector<512x16xf32>
    %add3A_53 = arith.addf %dot_general3A_52, %add3A_35 : vector<512x16xf32>
    %max3A_54 = arith.constant 0.000000e+00 : f32
    %max3A_55 = vector.broadcast %max3A_54 : f32 to vector<512x16xf32>
    %max3A_56 = arith.maximumf %add3A_53, %max3A_55 : vector<512x16xf32>
    %dot_general3A_57 = arith.constant dense<0.000000e+00> : vector<512x1xf32>
    %dot_general3A_58 = tpu.matmul %max3A_56, %get3A_30, %dot_general3A_57 {dimension_numbers = #tpu.dot_dimension_numbers<[1], [0], [0], [1], [0, 0, 1, 1], [], []>, transpose_lhs_hint = false} : vector<512x16xf32>, vector<16x1xf32>, vector<512x1xf32> -> vector<512x1xf32>
    %dot_general3A_59 = arith.constant dense<0.000000e+00> : vector<512x16xf32>
    %dot_general3A_60 = tpu.matmul %slice3A_13, %get3A_24, %dot_general3A_59 {dimension_numbers = #tpu.dot_dimension_numbers<[1], [0], [0], [1], [0, 0, 1, 1], [], []>, transpose_lhs_hint = false} : vector<512x64xf32>, vector<64x16xf32>, vector<512x16xf32> -> vector<512x16xf32>
    %add3A_61 = arith.addf %dot_general3A_60, %add3A_35 : vector<512x16xf32>
    %max3A_62 = arith.constant 0.000000e+00 : f32
    %max3A_63 = vector.broadcast %max3A_62 : f32 to vector<512x16xf32>
    %max3A_64 = arith.maximumf %add3A_61, %max3A_63 : vector<512x16xf32>
    %dot_general3A_65 = arith.constant dense<0.000000e+00> : vector<512x1xf32>
    %dot_general3A_66 = tpu.matmul %max3A_64, %get3A_30, %dot_general3A_65 {dimension_numbers = #tpu.dot_dimension_numbers<[1], [0], [0], [1], [0, 0, 1, 1], [], []>, transpose_lhs_hint = false} : vector<512x16xf32>, vector<16x1xf32>, vector<512x1xf32> -> vector<512x1xf32>
    %concatenate3A = tpu.concatenate %dot_general3A_42, %dot_general3A_50, %dot_general3A_58, %dot_general3A_66 in 1 : vector<512x1xf32>, vector<512x1xf32>, vector<512x1xf32>, vector<512x1xf32> -> vector<512x4xf32>
    %get3A_67 = arith.constant 0 : index
    %get3A_68 = arith.constant 0 : index
    %get3A_69 = vector.load %arg11[%get3A_67, %get3A_68] : memref<1x1xf32, #tpu.memory_space<vmem>>, vector<1x1xf32>
    %add3A_70 = vector.broadcast %get3A_69 : vector<1x1xf32> to vector<512x4xf32>
    %add3A_71 = arith.addf %concatenate3A, %add3A_70 : vector<512x4xf32>
    %reduce_max3A = arith.constant dense<0xFF800000> : vector<512xf32>
    %reduce_max3A_72 = vector.multi_reduction <maximumf>, %add3A_71, %reduce_max3A [1] : vector<512x4xf32> to vector<512xf32>
    %broadcast_in_dim3A = vector.shape_cast %reduce_max3A_72 : vector<512xf32> to vector<512x1xf32>
    %sub3A = vector.broadcast %broadcast_in_dim3A : vector<512x1xf32> to vector<512x4xf32>
    %sub3A_73 = arith.subf %add3A_71, %sub3A : vector<512x4xf32>
    %exp3A = math.exp %sub3A_73 : vector<512x4xf32>
    %reduce_sum3A = arith.constant dense<0.000000e+00> : vector<512xf32>
    %reduce_sum3A_74 = vector.multi_reduction <add>, %exp3A, %reduce_sum3A [1] : vector<512x4xf32> to vector<512xf32>
    %broadcast_in_dim3A_75 = vector.shape_cast %reduce_sum3A_74 : vector<512xf32> to vector<512x1xf32>
    %div3A = vector.broadcast %broadcast_in_dim3A_75 : vector<512x1xf32> to vector<512x4xf32>
    %div3A_76 = arith.divf %exp3A, %div3A : vector<512x4xf32>
    %reduce_max3A_77 = arith.constant dense<0xFF800000> : vector<512xf32>
    %reduce_max3A_78 = vector.multi_reduction <maximumf>, %div3A_76, %reduce_max3A_77 [1] : vector<512x4xf32> to vector<512xf32>
    %broadcast_in_dim3A_79 = vector.shape_cast %reduce_max3A_78 : vector<512xf32> to vector<512x1xf32>
    %iota3A = tpu.iota {dimensions = array<i32: 1>} : vector<512x4xi32>
    %convert_element_type3A = arith.sitofp %iota3A : vector<512x4xi32> to vector<512x4xf32>
    %ge3A = vector.broadcast %broadcast_in_dim3A_79 : vector<512x1xf32> to vector<512x4xf32>
    %ge3A_80 = arith.cmpf oge, %div3A_76, %ge3A : vector<512x4xf32>
    %jit3A = arith.constant 4.000000e+00 : f32
    %broadcast_in_dim3A_81 = vector.broadcast %jit3A : f32 to vector<512x4xf32>
    %select_n3A = arith.select %ge3A_80, %convert_element_type3A, %broadcast_in_dim3A_81 : vector<512x4xi1>, vector<512x4xf32>
    %reduce_min3A = arith.constant dense<0x7F800000> : vector<512xf32>
    %reduce_min3A_82 = vector.multi_reduction <minimumf>, %select_n3A, %reduce_min3A [1] : vector<512x4xf32> to vector<512xf32>
    %broadcast_in_dim3A_83 = vector.shape_cast %reduce_min3A_82 : vector<512xf32> to vector<512x1xf32>
    %eq3A = vector.broadcast %broadcast_in_dim3A_83 : vector<512x1xf32> to vector<512x4xf32>
    %eq3A_84 = arith.cmpf oeq, %convert_element_type3A, %eq3A : vector<512x4xf32>
    %convert_element_type3A_85 = arith.extui %eq3A_84 : vector<512x4xi1> to vector<512x4xi32>
    %convert_element_type3A_86 = arith.sitofp %convert_element_type3A_85 : vector<512x4xi32> to vector<512x4xf32>
    %get3A_87 = arith.constant 0 : index
    %get3A_88 = arith.constant 0 : index
    %get3A_89 = vector.load %arg12[%get3A_87, %get3A_88] : memref<1x2xf32, #tpu.memory_space<vmem>>, vector<1x2xf32>
    %get3A_90 = arith.constant 0 : index
    %get3A_91 = arith.constant 0 : index
    %get3A_92 = vector.load %arg13[%get3A_90, %get3A_91] : memref<1x2xf32, #tpu.memory_space<vmem>>, vector<1x2xf32>
    %slice3A_93 = vector.extract_strided_slice %get3A_89 {offsets = [0, 1], sizes = [1, 1], strides = [1, 1]} : vector<1x2xf32> to vector<1x1xf32>
    %slice3A_94 = vector.extract_strided_slice %get3A_89 {offsets = [0, 0], sizes = [1, 1], strides = [1, 1]} : vector<1x2xf32> to vector<1x1xf32>
    %sub3A_95 = arith.subf %slice3A_93, %slice3A_94 : vector<1x1xf32>
    %mul3A = vector.broadcast %sub3A_95 : vector<1x1xf32> to vector<512x4xf32>
    %mul3A_96 = arith.mulf %div3A_76, %mul3A : vector<512x4xf32>
    %slice3A_97 = vector.extract_strided_slice %get3A_92 {offsets = [0, 1], sizes = [1, 1], strides = [1, 1]} : vector<1x2xf32> to vector<1x1xf32>
    %slice3A_98 = vector.extract_strided_slice %get3A_92 {offsets = [0, 0], sizes = [1, 1], strides = [1, 1]} : vector<1x2xf32> to vector<1x1xf32>
    %sub3A_99 = arith.subf %slice3A_97, %slice3A_98 : vector<1x1xf32>
    %add3A_100 = vector.broadcast %sub3A_99 : vector<1x1xf32> to vector<512x4xf32>
    %add3A_101 = arith.addf %mul3A_96, %add3A_100 : vector<512x4xf32>
    %gt3A = arith.constant 0.000000e+00 : f32
    %gt3A_102 = vector.broadcast %gt3A : f32 to vector<512x4xf32>
    %gt3A_103 = arith.cmpf ogt, %add3A_101, %gt3A_102 : vector<512x4xf32>
    %convert_element_type3A_104 = arith.extui %gt3A_103 : vector<512x4xi1> to vector<512x4xi32>
    %convert_element_type3A_105 = arith.sitofp %convert_element_type3A_104 : vector<512x4xi32> to vector<512x4xf32>
    %mul3A_106 = arith.mulf %convert_element_type3A_86, %convert_element_type3A_105 : vector<512x4xf32>
    %reduce_sum3A_107 = arith.constant dense<0.000000e+00> : vector<512xf32>
    %reduce_sum3A_108 = vector.multi_reduction <add>, %mul3A_106, %reduce_sum3A_107 [1] : vector<512x4xf32> to vector<512xf32>
    %broadcast_in_dim3A_109 = vector.shape_cast %reduce_sum3A_108 : vector<512xf32> to vector<512x1xf32>
    %eq3A_110 = arith.constant 1.000000e+00 : f32
    %eq3A_111 = vector.broadcast %eq3A_110 : f32 to vector<512x1xf32>
    %eq3A_112 = arith.cmpf oeq, %broadcast_in_dim3A_109, %eq3A_111 : vector<512x1xf32>
    %broadcast_in_dim3A_113 = vector.shape_cast %eq3A_112 : vector<512x1xi1> to vector<512x1xi1>
    %broadcast_in_dim3A_114 = vector.broadcast %broadcast_in_dim3A_113 : vector<512x1xi1> to vector<512x4xi1>
    %select_n3A_115 = arith.select %broadcast_in_dim3A_114, %convert_element_type3A_86, %div3A_76 : vector<512x4xi1>, vector<512x4xf32>
    %slice3A_116 = vector.extract_strided_slice %select_n3A_115 {offsets = [0, 0], sizes = [512, 1], strides = [1, 1]} : vector<512x4xf32> to vector<512x1xf32>
    %mul3A_117 = vector.broadcast %slice3A_116 : vector<512x1xf32> to vector<512x64xf32>
    %mul3A_118 = arith.mulf %mul3A_117, %slice3A : vector<512x64xf32>
    %slice3A_119 = vector.extract_strided_slice %select_n3A_115 {offsets = [0, 1], sizes = [512, 1], strides = [1, 1]} : vector<512x4xf32> to vector<512x1xf32>
    %mul3A_120 = vector.broadcast %slice3A_119 : vector<512x1xf32> to vector<512x64xf32>
    %mul3A_121 = arith.mulf %mul3A_120, %slice3A_5 : vector<512x64xf32>
    %add3A_122 = arith.addf %mul3A_118, %mul3A_121 : vector<512x64xf32>
    %slice3A_123 = vector.extract_strided_slice %select_n3A_115 {offsets = [0, 2], sizes = [512, 1], strides = [1, 1]} : vector<512x4xf32> to vector<512x1xf32>
    %mul3A_124 = vector.broadcast %slice3A_123 : vector<512x1xf32> to vector<512x64xf32>
    %mul3A_125 = arith.mulf %mul3A_124, %slice3A_9 : vector<512x64xf32>
    %add3A_126 = arith.addf %add3A_122, %mul3A_125 : vector<512x64xf32>
    %slice3A_127 = vector.extract_strided_slice %select_n3A_115 {offsets = [0, 3], sizes = [512, 1], strides = [1, 1]} : vector<512x4xf32> to vector<512x1xf32>
    %mul3A_128 = vector.broadcast %slice3A_127 : vector<512x1xf32> to vector<512x64xf32>
    %mul3A_129 = arith.mulf %mul3A_128, %slice3A_13 : vector<512x64xf32>
    %add3A_130 = arith.addf %add3A_126, %mul3A_129 : vector<512x64xf32>
    %add3A_131 = arith.addf %add3A_130, %slice3A_21 : vector<512x64xf32>
    %mul3A_132 = arith.mulf %add3A_131, %slice3A_17 : vector<512x64xf32>
    %concatenate3A_133 = tpu.concatenate %mul3A_132, %add3A_131, %slice3A_17 in 1 : vector<512x64xf32>, vector<512x64xf32>, vector<512x64xf32> -> vector<512x192xf32>
    %get3A_134 = arith.constant 0 : index
    %get3A_135 = arith.constant 0 : index
    %get3A_136 = vector.load %arg14[%get3A_134, %get3A_135] : memref<192x8xf32, #tpu.memory_space<vmem>>, vector<192x8xf32>
    %dot_general3A_137 = arith.constant dense<0.000000e+00> : vector<512x8xf32>
    %dot_general3A_138 = tpu.matmul %concatenate3A_133, %get3A_136, %dot_general3A_137 {dimension_numbers = #tpu.dot_dimension_numbers<[1], [0], [0], [1], [0, 0, 1, 1], [], []>, transpose_lhs_hint = false} : vector<512x192xf32>, vector<192x8xf32>, vector<512x8xf32> -> vector<512x8xf32>
    %get3A_139 = arith.constant 0 : index
    %get3A_140 = arith.constant 0 : index
    %get3A_141 = vector.load %arg15[%get3A_139, %get3A_140] : memref<1x8xf32, #tpu.memory_space<vmem>>, vector<1x8xf32>
    %add3A_142 = vector.broadcast %get3A_141 : vector<1x8xf32> to vector<512x8xf32>
    %add3A_143 = arith.addf %dot_general3A_138, %add3A_142 : vector<512x8xf32>
    %max3A_144 = arith.constant 0.000000e+00 : f32
    %max3A_145 = vector.broadcast %max3A_144 : f32 to vector<512x8xf32>
    %max3A_146 = arith.maximumf %add3A_143, %max3A_145 : vector<512x8xf32>
    %get3A_147 = arith.constant 0 : index
    %get3A_148 = arith.constant 0 : index
    %get3A_149 = vector.load %arg16[%get3A_147, %get3A_148] : memref<8x1xf32, #tpu.memory_space<vmem>>, vector<8x1xf32>
    %dot_general3A_150 = arith.constant dense<0.000000e+00> : vector<512x1xf32>
    %dot_general3A_151 = tpu.matmul %max3A_146, %get3A_149, %dot_general3A_150 {dimension_numbers = #tpu.dot_dimension_numbers<[1], [0], [0], [1], [0, 0, 1, 1], [], []>, transpose_lhs_hint = false} : vector<512x8xf32>, vector<8x1xf32>, vector<512x1xf32> -> vector<512x1xf32>
    %get3A_152 = arith.constant 0 : index
    %get3A_153 = arith.constant 0 : index
    %get3A_154 = vector.load %arg17[%get3A_152, %get3A_153] : memref<1x1xf32, #tpu.memory_space<vmem>>, vector<1x1xf32>
    %add3A_155 = vector.broadcast %get3A_154 : vector<1x1xf32> to vector<512x1xf32>
    %add3A_156 = arith.addf %dot_general3A_151, %add3A_155 : vector<512x1xf32>
    %logistic3A = arith.negf %add3A_156 : vector<512x1xf32>
    %logistic3A_157 = math.exp %logistic3A : vector<512x1xf32>
    %logistic3A_158 = arith.constant 1.000000e+00 : f32
    %logistic3A_159 = vector.broadcast %logistic3A_158 : f32 to vector<512x1xf32>
    %logistic3A_160 = arith.addf %logistic3A_159, %logistic3A_157 : vector<512x1xf32>
    %logistic3A_161 = arith.divf %logistic3A_159, %logistic3A_160 : vector<512x1xf32>
    %swap3A = arith.constant 0 : index
    %swap3A_162 = arith.constant 0 : index
    %swap3A_163 = vector.load %arg18[%swap3A, %swap3A_162] : memref<512x1xf32, #tpu.memory_space<vmem>>, vector<512x1xf32>
    tpu.vector_store %arg18[%swap3A, %swap3A_162], %logistic3A_161 {strides = array<i32>} : memref<512x1xf32, #tpu.memory_space<vmem>>, vector<512x1xf32>,
    %swap3A_164 = arith.constant 0 : index
    %swap3A_165 = arith.constant 0 : index
    %swap3A_166 = vector.load %arg19[%swap3A_164, %swap3A_165] : memref<512x4xf32, #tpu.memory_space<vmem>>, vector<512x4xf32>
    tpu.vector_store %arg19[%swap3A_164, %swap3A_165], %div3A_76 {strides = array<i32>} : memref<512x4xf32, #tpu.memory_space<vmem>>, vector<512x4xf32>,
    %swap3A_167 = arith.constant 0 : index
    %swap3A_168 = arith.constant 0 : index
    %swap3A_169 = vector.load %arg20[%swap3A_167, %swap3A_168] : memref<512x1xf32, #tpu.memory_space<vmem>>, vector<512x1xf32>
    tpu.vector_store %arg20[%swap3A_167, %swap3A_168], %broadcast_in_dim3A_109 {strides = array<i32>} : memref<512x1xf32, #tpu.memory_space<vmem>>, vector<512x1xf32>,
    return
  }
  func.func @transform_0(%arg0: i32) -> (i32, i32) {
    %add3A = arith.constant 0 : i32
    %add3A_0 = arith.addi %add3A, %arg0 : i32
    %c0_i32 = arith.constant 0 : i32
    %c0_i32_1 = arith.constant 0 : i32
    return %add3A_0, %c0_i32 : i32, i32
  }
  func.func @transform_1(%arg0: i32) -> (i32, i32) {
    %add3A = arith.constant 8 : i32
    %add3A_0 = arith.addi %add3A, %arg0 : i32
    %c0_i32 = arith.constant 0 : i32
    %c0_i32_1 = arith.constant 0 : i32
    return %add3A_0, %c0_i32 : i32, i32
  }
  func.func @transform_2(%arg0: i32) -> (i32, i32) {
    %add3A = arith.constant 16 : i32
    %add3A_0 = arith.addi %add3A, %arg0 : i32
    %c0_i32 = arith.constant 0 : i32
    %c0_i32_1 = arith.constant 0 : i32
    return %add3A_0, %c0_i32 : i32, i32
  }
  func.func @transform_3(%arg0: i32) -> (i32, i32) {
    %add3A = arith.constant 24 : i32
    %add3A_0 = arith.addi %add3A, %arg0 : i32
    %c0_i32 = arith.constant 0 : i32
    %c0_i32_1 = arith.constant 0 : i32
    return %add3A_0, %c0_i32 : i32, i32
  }
  func.func @transform_4(%arg0: i32) -> (i32, i32) {
    %c0_i32 = arith.constant 0 : i32
    %c0_i32_0 = arith.constant 0 : i32
    return %arg0, %c0_i32 : i32, i32
  }
  func.func @transform_5(%arg0: i32) -> (i32, i32) {
    %c0_i32 = arith.constant 0 : i32
    %c0_i32_0 = arith.constant 0 : i32
    return %arg0, %c0_i32 : i32, i32
  }
  func.func @transform_6(%arg0: i32) -> (i32, i32) {
    %c0_i32 = arith.constant 0 : i32
    %c0_i32_0 = arith.constant 0 : i32
    %c0_i32_1 = arith.constant 0 : i32
    return %c0_i32, %c0_i32_0 : i32, i32
  }
  func.func @transform_7(%arg0: i32) -> (i32, i32) {
    %c0_i32 = arith.constant 0 : i32
    %c0_i32_0 = arith.constant 0 : i32
    %c0_i32_1 = arith.constant 0 : i32
    return %c0_i32, %c0_i32_0 : i32, i32
  }
  func.func @transform_8(%arg0: i32) -> (i32, i32) {
    %c0_i32 = arith.constant 0 : i32
    %c0_i32_0 = arith.constant 0 : i32
    %c0_i32_1 = arith.constant 0 : i32
    return %c0_i32, %c0_i32_0 : i32, i32
  }
  func.func @transform_9(%arg0: i32) -> (i32, i32) {
    %c0_i32 = arith.constant 0 : i32
    %c0_i32_0 = arith.constant 0 : i32
    %c0_i32_1 = arith.constant 0 : i32
    return %c0_i32, %c0_i32_0 : i32, i32
  }
  func.func @transform_10(%arg0: i32) -> (i32, i32) {
    %c0_i32 = arith.constant 0 : i32
    %c0_i32_0 = arith.constant 0 : i32
    %c0_i32_1 = arith.constant 0 : i32
    return %c0_i32, %c0_i32_0 : i32, i32
  }
  func.func @transform_11(%arg0: i32) -> (i32, i32) {
    %c0_i32 = arith.constant 0 : i32
    %c0_i32_0 = arith.constant 0 : i32
    %c0_i32_1 = arith.constant 0 : i32
    return %c0_i32, %c0_i32_0 : i32, i32
  }
  func.func @transform_12(%arg0: i32) -> (i32, i32) {
    %c0_i32 = arith.constant 0 : i32
    %c0_i32_0 = arith.constant 0 : i32
    %c0_i32_1 = arith.constant 0 : i32
    return %c0_i32, %c0_i32_0 : i32, i32
  }
  func.func @transform_13(%arg0: i32) -> (i32, i32) {
    %c0_i32 = arith.constant 0 : i32
    %c0_i32_0 = arith.constant 0 : i32
    %c0_i32_1 = arith.constant 0 : i32
    return %c0_i32, %c0_i32_0 : i32, i32
  }
  func.func @transform_14(%arg0: i32) -> (i32, i32) {
    %c0_i32 = arith.constant 0 : i32
    %c0_i32_0 = arith.constant 0 : i32
    %c0_i32_1 = arith.constant 0 : i32
    return %c0_i32, %c0_i32_0 : i32, i32
  }
  func.func @transform_15(%arg0: i32) -> (i32, i32) {
    %c0_i32 = arith.constant 0 : i32
    %c0_i32_0 = arith.constant 0 : i32
    %c0_i32_1 = arith.constant 0 : i32
    return %c0_i32, %c0_i32_0 : i32, i32
  }
  func.func @transform_16(%arg0: i32) -> (i32, i32) {
    %c0_i32 = arith.constant 0 : i32
    %c0_i32_0 = arith.constant 0 : i32
    %c0_i32_1 = arith.constant 0 : i32
    return %c0_i32, %c0_i32_0 : i32, i32
  }
  func.func @transform_17(%arg0: i32) -> (i32, i32) {
    %c0_i32 = arith.constant 0 : i32
    %c0_i32_0 = arith.constant 0 : i32
    return %arg0, %c0_i32 : i32, i32
  }
  func.func @transform_18(%arg0: i32) -> (i32, i32) {
    %c0_i32 = arith.constant 0 : i32
    %c0_i32_0 = arith.constant 0 : i32
    return %arg0, %c0_i32 : i32, i32
  }
  func.func @transform_19(%arg0: i32) -> (i32, i32) {
    %c0_i32 = arith.constant 0 : i32
    %c0_i32_0 = arith.constant 0 : i32
    return %arg0, %c0_i32 : i32, i32
  }
}

</mosaic_0001>

<sc_bundles>
// kernel: kernel.7.cloned.1.call-start
scs
__scs_entry_jumppad:
0x0: {  	(pc) =	sbr.rel $0x88, $3  }
0x1: {  	(tag) =	ssettag $0x0;
	lr =	simm.s32 $0x1  }
0x2: {  	[smem:$0x3F91] =	sst lr;
	_ =	strace $0xD0000000  }
0x3: {  	_ = 	snop  }
0x4: {  	_ = 	snop  }
0x5: {  	_ = 	snop  }
0x6: {  	_ = 	snop  }
0x7: {  	_ = 	snop  }
__scs_overlays_trampoline_lowered:
0x8: {  	[smem:$0x3FA0] =	sst s0  }
0x9: {  	[smem:$0x3FA1] =	sst s1  }
0xa: {  	[smem:$0x3FA2] =	sst s2  }
0xb: {  	[smem:$0x3FA3] =	sst s3  }
0xc: {  	[smem:$0x3FA4] =	sst s4  }
0xd: {  	[smem:$0x3FA5] =	sst s5  }
0xe: {  	[smem:$0x3FA6] =	sst s6  }
0xf: {  	[smem:$0x3FA7] =	sst s7  }
0x10: {  	[smem:$0x3FA8] =	sst s8  }
0x11: {  	[smem:$0x3FA9] =	sst s9;
	s0 =	simm.s32 @!p0 $0x0  }
0x12: {  	s1 =	sld [smem:$0x3F8F];
	s0 =	simm.s32 @p0 $0x1  }
0x13: {  	[smem:$0x3FAA] =	sst s0;
	s0 =	simm.s32 @!p1 $0x0  }
0x14: {  	s2 =	sld [smem:$0x3F8E];
	s0 =	simm.s32 @p1 $0x1  }
0x15: {  	[smem:$0x3FAB] =	sst s0;
	s0 =	simm.s32 @!p2 $0x0  }
0x16: {  	s3 =	sld [smem:$0x3FDB];
	s0 =	simm.s32 @p2 $0x1  }
0x17: {  	s4 =	simm.s32 $0x1BF5;
	[smem:$0x3FAD] =	sst s0  }
0x18: {  	s0 =	sld [smem:$0x3F90];
	_ =	swait.ge [sflag:s4], $0x0  }
0x19: {  	s7 =	sld [smem:$0x3F91]  }
0x1a: {  	s8 =	sadd.s32 $0xFFFFE003, lr  }
0x1b: {  	s9 =	sadd.s32 $0xFFFFFEF7, lr;
	s5 =	simm.s32 $0xFFFFFFFF;
	p2 =	slt.u32 s8, $0xFFFFF086  }
0x1c: {  	p1 =	slt.u32 s9, $0xF7A;
	s5 =	simm.s32 @!p2 $0x0  }
0x1d: {  	s5 =	simm.s32 @p1 $0x1;
	p0 =	seq.s32 s7, s2  }
0x1e: {  	s7 =	smul.u32 @!p0 $0xF7A, s2;
	p2 =	seq.s32 @!p0 s5, $0x0  }
0x1f: {  	s9 =	smul.u32 $0xF7A, s1;
	s8 =	simm.s32 @!p0 $0x1BF5;
	p2 =	por !p2, p0  }
0x20: {  	[sflag:s8] =	ssyncset.s32 @!p0 $0xFFFFF086;
	s6 =	sadd.s32 @!p0 s3, s7;
	s7 =	simm.s32 @!p0 $0x108  }
0x21: {  	s3 =	sadd.s32 s3, s9;
	s6 =	sadd.s32 @!p0 $0x88, s6;
	s7 =	simm.s32 @p2 $0x1082  }
0x22: {  	[simem:s7], [sflag:s8] =	dma.local @!p0 [hbm:s6], $0xF7A  }
0x23: {  	s9 =	sor.u32 $0xD0000000, s2;
	s6 =	simm.s32 $0x108;
	_ =	swait.ge @!p0 [sflag:s8], $0x0  }
0x24: {  	s3 =	sadd.s32 $0x88, s3;
	s6 =	simm.s32 @!p1 $0x1082;
	[sflag:s4] =	ssyncset.s32 $0xFFFFF086  }
0x25: {  	[simem:s6], [sflag:s4] =	dma.local [hbm:s3], $0xF7A  }
0x26: {  	[smem:$0x3F91] =	sst s1;
	(tag) =	ssettag s2;
	_ =	strace s9  }
0x27: {  	s1 =	sld [smem:$0x3FA1]  }
0x28: {  	s2 =	sld [smem:$0x3FA2]  }
0x29: {  	s4 =	sld [smem:$0x3FA4]  }
0x2a: {  	p0 =	seq.s32 s5, $0x0;
	s5 =	sld [smem:$0x3FA5]  }
0x2b: {  	s6 =	sld [smem:$0x3FA6]  }
0x2c: {  	s7 =	sld [smem:$0x3FA7]  }
0x2d: {  	s3 =	simm.s32 $0x108;
	s8 =	sld [smem:$0x3FA8]  }
0x2e: {  	s3 =	simm.s32 @!p0 $0x1082;
	s9 =	sld [smem:$0x3FA9]  }
0x2f: {  	lr =	sadd.s32 s0, s3;
	s0 =	sld [smem:$0x3FA0]  }
0x30: {  	s3 =	sld [smem:$0x3FA3]  }
0x31: {  	[smem:$0x3FAC] =	sst s10  }
0x32: {  	s10 =	sld [smem:$0x3FAA];
	_ =	sdelay $0x3  }
0x33: {  	p0 =	seq.s32 s10, $0x1;
	s10 =	sld [smem:$0x3FAC];
	_ =	sdelay $0x3  }
0x34: {  	[smem:$0x3FAC] =	sst s10  }
0x35: {  	s10 =	sld [smem:$0x3FAB];
	_ =	sdelay $0x3  }
0x36: {  	p1 =	seq.s32 s10, $0x1;
	s10 =	sld [smem:$0x3FAC];
	_ =	sdelay $0x3  }
0x37: {  	[smem:$0x3FAC] =	sst s10  }
0x38: {  	s10 =	sld [smem:$0x3FAD]  }
0x39: {  	_ = 	snop;
	(pc) =	sbr.ind lr, $3  }
0x3a: {  	_ = 	snop  }
0x3b: {  	_ = 	snop  }
0x3c: {  	p2 =	seq.s32 s10, $0x1;
	s10 =	sld [smem:$0x3FAC]  }
0x3d: {  	_ =	shalt  }
0x3e: {  	_ =	shalt  }
0x3f: {  	_ =	shalt  }
0x40: {  	_ =	shalt  }
0x41: {  	_ =	shalt  }
0x42: {  	_ =	shalt  }
0x43: {  	_ =	shalt  }
0x44: {  	_ =	shalt  }
0x45: {  	_ =	shalt  }
0x46: {  	_ =	shalt  }
0x47: {  	_ =	shalt  }
0x48: {  	_ =	shalt  }
0x49: {  	_ =	shalt  }
0x4a: {  	_ =	shalt  }
0x4b: {  	_ =	shalt  }
0x4c: {  	_ =	shalt  }
0x4d: {  	_ =	shalt  }
0x4e: {  	_ =	shalt  }
0x4f: {  	_ =	shalt  }
0x50: {  	_ =	shalt  }
0x51: {  	_ =	shalt  }
0x52: {  	_ =	shalt  }
0x53: {  	_ =	shalt  }
0x54: {  	_ =	shalt  }
0x55: {  	_ =	shalt  }
0x56: {  	_ =	shalt  }
0x57: {  	_ =	shalt  }
0x58: {  	_ =	shalt  }
0x59: {  	_ =	shalt  }
0x5a: {  	_ =	shalt  }
0x5b: {  	_ =	shalt  }
0x5c: {  	_ =	shalt  }
0x5d: {  	_ =	shalt  }
0x5e: {  	_ =	shalt  }
0x5f: {  	_ =	shalt  }
0x60: {  	_ =	shalt  }
0x61: {  	_ =	shalt  }
0x62: {  	_ =	shalt  }
0x63: {  	_ =	shalt  }
0x64: {  	_ =	shalt  }
0x65: {  	_ =	shalt  }
0x66: {  	_ =	shalt  }
0x67: {  	_ =	shalt  }
0x68: {  	_ =	shalt  }
0x69: {  	_ =	shalt  }
0x6a: {  	_ =	shalt  }
0x6b: {  	_ =	shalt  }
0x6c: {  	_ =	shalt  }
0x6d: {  	_ =	shalt  }
0x6e: {  	_ =	shalt  }
0x6f: {  	_ =	shalt  }
0x70: {  	_ =	shalt  }
0x71: {  	_ =	shalt  }
0x72: {  	_ =	shalt  }
0x73: {  	_ =	shalt  }
0x74: {  	_ =	shalt  }
0x75: {  	_ =	shalt  }
0x76: {  	_ =	shalt  }
0x77: {  	_ =	shalt  }
0x78: {  	_ =	shalt  }
0x79: {  	_ =	shalt  }
0x7a: {  	_ =	shalt  }
0x7b: {  	_ =	shalt  }
0x7c: {  	_ =	shalt  }
0x7d: {  	_ =	shalt  }
0x7e: {  	_ =	shalt  }
0x7f: {  	_ =	shalt  }
0x80: {  	_ =	shalt  }
0x81: {  	_ =	shalt  }
0x82: {  	_ =	shalt  }
0x83: {  	_ =	shalt  }
0x84: {  	_ =	shalt  }
0x85: {  	_ =	shalt  }
0x86: {  	_ =	shalt  }
0x87: {  	_ =	shalt  }
.Lfunc_end0:
.L_simem_size_0:
called_computation_lowered:
.L_overlay_start_0:
0x88: {  	s2 =	sld [smem:$0x3FD9]  }
0x89: {  	s3 =	sld [smem:$0x3FFE];
	_ =	sdelay $0x1  }
0x8a: {  	s1 =	srdreg.scid  }
0x8b: {  	s0 =	sand.u32 $0x1, s1  }
0x8c: {  	s14 =	sshll.u32 s0, $0xA;
	s2 =	sadd.s32 s3, s2  }
0x8d: {  	s2 =	sadd.s32 s2, s14  }
0x8e: {  	[smem:$0x3FB8] =	sst s2  }
0x8f: {  	_ = 	snop  }
0x90: {  	s2 =	sld [smem:$0x3FD0];
	_ =	sdelay $0x1  }
0x91: {  	s15 =	sld [smem:$0x3FC9]  }
0x92: {  	s5 =	simm.s32 $0xA;
	s6 =	simm.s32 $0x10;
	s4 =	sld [smem:$0x3FC8]  }
0x93: {  	[smem:s6], [sflag:s5] =	dma.local [hbm:s2], $0x1  }
0x94: {  	_ =	swait.eq [sflag:s5], $0x1  }
0x95: {  	[sflag:s5] =	ssyncset.done $0x0  }
0x96: {  	[sflag:s5] =	ssyncadd.s32 $0xFFFFFFFF  }
0x97: {  	s16 =	sld [smem:$0x11];
	(tm) =	ssettm $0x1  }
0x98: {  	s17 =	sld [smem:$0x3FFB];
	_ =	sdelay $0x3  }
0x99: {  	_ =	strace s17  }
0x9a: {  	s5 =	sld [smem:$0x3FFC];
	_ =	sdelay $0x3  }
0x9b: {  	_ =	strace s5  }
0x9c: {  	s5 =	sld [smem:$0x3FFD];
	_ =	sdelay $0x3  }
0x9d: {  	_ =	strace s5  }
0x9e: {  	_ =	strace $0x8FFFFFFF  }
0x9f: {  	s18 =	sld [smem:$0x3FDB];
	_ =	sdelay $0x1  }
0xa0: {  	s19 =	simm.s32 $_scs_section_size  }
0xa1: {  	s7 =	simm.s32 $_size__tile_overlayer_lowered;
	s8 =	simm.s32 $_tile_overlayer_lowered  }
0xa2: {  	s22 =	simm.s32 $0x1BFF;
	s21 =	sshll.u32 s8, $0x1;
	s5 =	sadd.s32 s19, s18  }
0xa3: {  	s9 =	simm.s32 $0x0;
	s20 =	sshll.u32 s7, $0x1;
	s7 =	sadd.s32 s21, s5  }
0xa4: {  	[timem:s9], [sflag:s22] =	dma.local [hbm:s7], s20  }
0xa5: {  	_ =	swait.ge [sflag:s22], s20  }
0xa6: {  	s6 =	ssub.s32 $0x0, s20;
	[sflag:s22] =	ssyncset.done $0x0  }
0xa7: {  	[sflag:s22] =	ssyncadd.s32 s6;
	_ =	sdelay $0x1  }
0xa8: {  	s23 =	simm.s32 $0x1B8B  }
0xa9: {  	_ =	swait.ge [sflag:s23], $0x1  }
0xaa: {  	[sflag:s23] =	ssyncset.done $0x0  }
0xab: {  	s25 =	simm.s32 $0x1B8E;
	s24 =	sld [smem:$0x3FFE];
	[sflag:s23] =	ssyncadd.s32 $0xFFFFFFFF  }
0xac: {  	s26 =	simm.s32 $execute0_lowered;
	[smem:$0x3FD2] =	sst s25  }
0xad: {  	s7 =	sshll.u32 s26, $0x1;
	_ =	strace $0x80000046;
	[dreg:$0x1] =	wrdreg $0xFFFFFFFF  }
0xae: {  	s28 =	simm.s32 $_size_execute0_lowered;
	s5 =	sadd.s32 s5, s7;
	[dreg:$0x0] =	wrdreg $0x0  }
0xaf: {  	s7 =	sshll.u32 s28, $0x1;
	[dreg:$0x2] =	wrdreg s5  }
0xb0: {  	[dreg:$0x3] =	wrdreg s7  }
0xb1: {  	[dreg:$0x4] =	wrdreg $0xC0  }
0xb2: {  	_ =	task [dreg:s9], $0x5FFFF  }
0xb3: {  	[dreg:$0x1] =	wrdreg $0xFFFFFFFF  }
0xb4: {  	[dreg:$0x0] =	wrdreg $0x60  }
0xb5: {  	[dreg:$0x2] =	wrdreg s15  }
0xb6: {  	[dreg:$0x3] =	wrdreg s4  }
0xb7: {  	[dreg:$0x4] =	wrdreg s16  }
0xb8: {  	[dreg:$0x5] =	wrdreg s24  }
0xb9: {  	[dreg:$0x6] =	wrdreg $0x9  }
0xba: {  	_ =	task.clear_ibuf [dreg:s9], $0x7FFFF;
	_ =	strace $0x90000046  }
0xbb: {  	s29 =	simm.s32 $0x9;
	_ =	strace $0x80000048  }
0xbc: {  	_ =	swait.ge [sflag:s29], $0x1  }
0xbd: {  	[sflag:s29] =	ssyncadd.s32 $0xFFFFFFFF  }
0xbe: {  	_ =	strace $0x90000048  }
0xbf: {  	_ =	sfence  }
0xc0: {  	s30 =	sld [smem:$0x0];
	_ =	sdelay $0x2  }
0xc1: {  	s31 =	sshll.u32 s1, $0xD;
	s1 =	sshrl.u32 s1, $0x2  }
0xc2: {  	s3 =	sand.u32 $0x4000, s31;
	s1 =	sadd.s32 s1, s30  }
0xc3: {  	s0 =	sor.u32 s3, s0;
	s1 =	sshll.u32 s1, $0x11  }
0xc4: {  	s0 =	sor.u32 s1, s0  }
0xc5: {  	s0 =	sadd.s32 $0x8F2B, s0  }
0xc6: {  	[sflag:s0] =	ssyncadd.remote.s32 $0x1  }
0xc7: {  	_ =	sfence.sel $0xFFFF  }
0xc8: {  	[dreg:$0x0] =	wrdreg $0xFFFFFFFF;
	(pc) =	sbr.abs _section_cstart, $3  }
0xc9: {  	[dreg:$0x1] =	wrdreg $0xFFFFFFFF  }
0xca: {  	_ =	task.clear_ibuf [dreg:s9], $0x2FFFF;
	_ =	strace $0x9FFFFFFF  }
0xcb: {  	(tm) =	ssettm $0x7FFFFFFF  }
tec
execute0_lowered:
.L_overlay_start_1:
0x0: {  	(tag) =	ssettag $0x1  }
0x1: {  	s8 =	rddreg [dreg:$0x0]  }
0x2: {  	s6 =	rddreg [dreg:$0x1]  }
0x3: {  	s1 =	srdreg.scid;
	s0 =	stileid.u32  }
0x4: {  	s2 =	rddreg [dreg:$0x2];
	s29 =	sand.u32 $0x1, s1;
	s31 =	sshll.u32 s0, $0x1  }
0x5: {  	s28 =	rddreg [dreg:$0x3];
	s30 =	sor.u32 s29, s31  }
0x6: {  	s3 =	simm.s32 $0x0;
	s1 =	rddreg [dreg:$0x4];
	s12 =	sand.u32 $0x7, s30  }
0x7: {  	[smem:$0x7FF] =	sst s3;
	s4 =	sshll.u32 s12, $0x6  }
0x8: {  	_ =	strace $0x80000047;
	s5 =	sadd.s32 s8, s4;
	s4 =	simm.s32 $0x3  }
0x9: {  	[tilespmem:s3], [sflag:$0x3] =	stream.linear.gather [hbm4b:s5+s3], $0x200, $0x38;
	[tilespmem:$0xC500] =	vst v63  }
0xa: {  	_ =	swait.ge [sflag:s4], $0x200  }
0xb: {  	s9 =	sshll.u32 s30, $0x4;
	[sflag:s4] =	ssyncset.done $0x0  }
0xc: {  	s7 =	simm.s32 $0x400;
	s6 =	sadd.s32 s6, s9;
	[sflag:s4] =	ssyncadd.s32 $0xFFFFFE00  }
0xd: {  	[tilespmem:s7], [sflag:$0x3] =	stream.linear.gather [hbm4b:s6+s3], $0x80, $0x38;
	[tilespmem:$0xC500] =	vst v63  }
0xe: {  	_ =	swait.ge [sflag:s4], $0x80  }
0xf: {  	[sflag:s4] =	ssyncset.done $0x0  }
0x10: {  	s8 =	sadd.s32 s8, s9;
	s9 =	simm.s32 $0x480;
	[sflag:s4] =	ssyncadd.s32 $0xFFFFFF80  }
0x11: {  	[tilespmem:s9], [sflag:$0x3] =	stream.linear.gather [hbm4b:s8+s3], $0x80, $0x38;
	[tilespmem:$0xC500] =	vst v63  }
0x12: {  	_ =	swait.ge [sflag:s4], $0x80  }
0x13: {  	[sflag:s4] =	ssyncset.done $0x0  }
0x14: {  	s10 =	simm.s32 $0x500;
	[sflag:s4] =	ssyncadd.s32 $0xFFFFFF80  }
0x15: {  	[tilespmem:s10], [sflag:$0x3] =	stream.linear.gather [hbm4b:s2+s3], $0x4000, $0x38;
	[tilespmem:$0xC500] =	vst v63  }
0x16: {  	_ =	swait.ge [sflag:s4], $0x4000  }
0x17: {  	[sflag:s4] =	ssyncset.done $0x0  }
0x18: {  	[sflag:s4] =	ssyncadd.s32 $0xFFFFC000  }
0x19: {  	v1 =	vld [tilespmem:$0x0];
	_ =	sdelay $0x3  }
0x1a: {  	s13 =	sshrl.u32 s0, $0x2  }
0x1b: {  	v0 =	vmov s13;
	v1 =	vshll.u32 v1, $0x2  }
0x1c: {  	v2 =	vld [tilespmem:$0x10];
	v1 =	vor.u32 v0, v1;
	_ =	sdelay $0x4  }
0x1d: {  	v2 =	vshll.u32 v2, $0x2;
	v1 =	vld.idx.msk [tilespmem:v1+s10+$0x0], $0xffff  }
0x1e: {  	v3 =	vld [tilespmem:$0x20];
	v2 =	vor.u32 v0, v2;
	_ =	sdelay $0x3  }
0x1f: {  	[tilespmem:$0x200] =	vst v1  }
0x20: {  	v1 =	vld.idx.msk [tilespmem:v2+s10+$0x0], $0xffff;
	v2 =	vshll.u32 v3, $0x2  }
0x21: {  	v3 =	vld [tilespmem:$0x30];
	v2 =	vor.u32 v0, v2;
	_ =	sdelay $0x3  }
0x22: {  	[tilespmem:$0x210] =	vst v1  }
0x23: {  	v1 =	vld.idx.msk [tilespmem:v2+s10+$0x0], $0xffff;
	v2 =	vshll.u32 v3, $0x2  }
0x24: {  	v3 =	vld [tilespmem:$0x40];
	v2 =	vor.u32 v0, v2;
	_ =	sdelay $0x3  }
0x25: {  	[tilespmem:$0x220] =	vst v1  }
0x26: {  	v1 =	vld.idx.msk [tilespmem:v2+s10+$0x0], $0xffff;
	v2 =	vshll.u32 v3, $0x2  }
0x27: {  	v3 =	vld [tilespmem:$0x50];
	v2 =	vor.u32 v0, v2;
	_ =	sdelay $0x3  }
0x28: {  	[tilespmem:$0x230] =	vst v1  }
0x29: {  	v1 =	vld.idx.msk [tilespmem:v2+s10+$0x0], $0xffff;
	v2 =	vshll.u32 v3, $0x2  }
0x2a: {  	v3 =	vld [tilespmem:$0x60];
	v2 =	vor.u32 v0, v2;
	_ =	sdelay $0x3  }
0x2b: {  	[tilespmem:$0x240] =	vst v1  }
0x2c: {  	v1 =	vld.idx.msk [tilespmem:v2+s10+$0x0], $0xffff;
	v2 =	vshll.u32 v3, $0x2  }
0x2d: {  	v3 =	vld [tilespmem:$0x70];
	v2 =	vor.u32 v0, v2;
	_ =	sdelay $0x3  }
0x2e: {  	[tilespmem:$0x250] =	vst v1  }
0x2f: {  	v1 =	vld.idx.msk [tilespmem:v2+s10+$0x0], $0xffff;
	v2 =	vshll.u32 v3, $0x2  }
0x30: {  	v3 =	vld [tilespmem:$0x80];
	v2 =	vor.u32 v0, v2;
	_ =	sdelay $0x3  }
0x31: {  	[tilespmem:$0x260] =	vst v1  }
0x32: {  	v1 =	vld.idx.msk [tilespmem:v2+s10+$0x0], $0xffff;
	v2 =	vshll.u32 v3, $0x2  }
0x33: {  	v3 =	vld [tilespmem:$0x90];
	v2 =	vor.u32 v0, v2;
	_ =	sdelay $0x3  }
0x34: {  	[tilespmem:$0x270] =	vst v1  }
0x35: {  	v1 =	vld.idx.msk [tilespmem:v2+s10+$0x0], $0xffff;
	v2 =	vshll.u32 v3, $0x2  }
0x36: {  	v3 =	vld [tilespmem:$0xA0];
	v2 =	vor.u32 v0, v2;
	_ =	sdelay $0x3  }
0x37: {  	[tilespmem:$0x280] =	vst v1  }
0x38: {  	v1 =	vld.idx.msk [tilespmem:v2+s10+$0x0], $0xffff;
	v2 =	vshll.u32 v3, $0x2  }
0x39: {  	v3 =	vld [tilespmem:$0xB0];
	v2 =	vor.u32 v0, v2;
	_ =	sdelay $0x3  }
0x3a: {  	[tilespmem:$0x290] =	vst v1  }
0x3b: {  	v1 =	vld.idx.msk [tilespmem:v2+s10+$0x0], $0xffff;
	v2 =	vshll.u32 v3, $0x2  }
0x3c: {  	v3 =	vld [tilespmem:$0xC0];
	v2 =	vor.u32 v0, v2;
	_ =	sdelay $0x3  }
0x3d: {  	[tilespmem:$0x2A0] =	vst v1  }
0x3e: {  	v1 =	vld.idx.msk [tilespmem:v2+s10+$0x0], $0xffff;
	v2 =	vshll.u32 v3, $0x2  }
0x3f: {  	v3 =	vld [tilespmem:$0xD0];
	v2 =	vor.u32 v0, v2;
	_ =	sdelay $0x3  }
0x40: {  	[tilespmem:$0x2B0] =	vst v1  }
0x41: {  	v1 =	vld.idx.msk [tilespmem:v2+s10+$0x0], $0xffff;
	v2 =	vshll.u32 v3, $0x2  }
0x42: {  	v3 =	vld [tilespmem:$0xE0];
	v2 =	vor.u32 v0, v2;
	_ =	sdelay $0x3  }
0x43: {  	[tilespmem:$0x2C0] =	vst v1  }
0x44: {  	v1 =	vld.idx.msk [tilespmem:v2+s10+$0x0], $0xffff;
	v2 =	vshll.u32 v3, $0x2  }
0x45: {  	v3 =	vld [tilespmem:$0xF0];
	v2 =	vor.u32 v0, v2;
	_ =	sdelay $0x3  }
0x46: {  	[tilespmem:$0x2D0] =	vst v1  }
0x47: {  	v1 =	vld.idx.msk [tilespmem:v2+s10+$0x0], $0xffff;
	v2 =	vshll.u32 v3, $0x2  }
0x48: {  	v3 =	vld [tilespmem:$0x100];
	v2 =	vor.u32 v0, v2;
	_ =	sdelay $0x3  }
0x49: {  	[tilespmem:$0x2E0] =	vst v1  }
0x4a: {  	v1 =	vld.idx.msk [tilespmem:v2+s10+$0x0], $0xffff;
	v2 =	vshll.u32 v3, $0x2  }
0x4b: {  	v3 =	vld [tilespmem:$0x110];
	v2 =	vor.u32 v0, v2;
	_ =	sdelay $0x3  }
0x4c: {  	[tilespmem:$0x2F0] =	vst v1  }
0x4d: {  	v1 =	vld.idx.msk [tilespmem:v2+s10+$0x0], $0xffff;
	v2 =	vshll.u32 v3, $0x2  }
0x4e: {  	v3 =	vld [tilespmem:$0x120];
	v2 =	vor.u32 v0, v2;
	_ =	sdelay $0x3  }
0x4f: {  	[tilespmem:$0x300] =	vst v1  }
0x50: {  	v1 =	vld.idx.msk [tilespmem:v2+s10+$0x0], $0xffff;
	v2 =	vshll.u32 v3, $0x2  }
0x51: {  	v3 =	vld [tilespmem:$0x130];
	v2 =	vor.u32 v0, v2;
	_ =	sdelay $0x3  }
0x52: {  	[tilespmem:$0x310] =	vst v1  }
0x53: {  	v1 =	vld.idx.msk [tilespmem:v2+s10+$0x0], $0xffff;
	v2 =	vshll.u32 v3, $0x2  }
0x54: {  	v3 =	vld [tilespmem:$0x140];
	v2 =	vor.u32 v0, v2;
	_ =	sdelay $0x3  }
0x55: {  	[tilespmem:$0x320] =	vst v1  }
0x56: {  	v1 =	vld.idx.msk [tilespmem:v2+s10+$0x0], $0xffff;
	v2 =	vshll.u32 v3, $0x2  }
0x57: {  	v3 =	vld [tilespmem:$0x150];
	v2 =	vor.u32 v0, v2;
	_ =	sdelay $0x3  }
0x58: {  	[tilespmem:$0x330] =	vst v1  }
0x59: {  	v1 =	vld.idx.msk [tilespmem:v2+s10+$0x0], $0xffff;
	v2 =	vshll.u32 v3, $0x2  }
0x5a: {  	v3 =	vld [tilespmem:$0x160];
	v2 =	vor.u32 v0, v2;
	_ =	sdelay $0x3  }
0x5b: {  	[tilespmem:$0x340] =	vst v1  }
0x5c: {  	v1 =	vld.idx.msk [tilespmem:v2+s10+$0x0], $0xffff;
	v2 =	vshll.u32 v3, $0x2  }
0x5d: {  	v3 =	vld [tilespmem:$0x170];
	v2 =	vor.u32 v0, v2;
	_ =	sdelay $0x3  }
0x5e: {  	[tilespmem:$0x350] =	vst v1  }
0x5f: {  	v1 =	vld.idx.msk [tilespmem:v2+s10+$0x0], $0xffff;
	v2 =	vshll.u32 v3, $0x2  }
0x60: {  	v3 =	vld [tilespmem:$0x180];
	v2 =	vor.u32 v0, v2;
	_ =	sdelay $0x3  }
0x61: {  	[tilespmem:$0x360] =	vst v1  }
0x62: {  	v1 =	vld.idx.msk [tilespmem:v2+s10+$0x0], $0xffff;
	v2 =	vshll.u32 v3, $0x2  }
0x63: {  	v3 =	vld [tilespmem:$0x190];
	v2 =	vor.u32 v0, v2;
	_ =	sdelay $0x3  }
0x64: {  	[tilespmem:$0x370] =	vst v1  }
0x65: {  	v1 =	vld.idx.msk [tilespmem:v2+s10+$0x0], $0xffff;
	v2 =	vshll.u32 v3, $0x2  }
0x66: {  	v3 =	vld [tilespmem:$0x1A0];
	v2 =	vor.u32 v0, v2;
	_ =	sdelay $0x3  }
0x67: {  	[tilespmem:$0x380] =	vst v1  }
0x68: {  	v1 =	vld.idx.msk [tilespmem:v2+s10+$0x0], $0xffff;
	v2 =	vshll.u32 v3, $0x2  }
0x69: {  	v3 =	vld [tilespmem:$0x1B0];
	v2 =	vor.u32 v0, v2;
	_ =	sdelay $0x3  }
0x6a: {  	[tilespmem:$0x390] =	vst v1  }
0x6b: {  	v1 =	vld.idx.msk [tilespmem:v2+s10+$0x0], $0xffff;
	v2 =	vshll.u32 v3, $0x2  }
0x6c: {  	v3 =	vld [tilespmem:$0x1C0];
	v2 =	vor.u32 v0, v2;
	_ =	sdelay $0x3  }
0x6d: {  	[tilespmem:$0x3A0] =	vst v1  }
0x6e: {  	v1 =	vld.idx.msk [tilespmem:v2+s10+$0x0], $0xffff;
	v2 =	vshll.u32 v3, $0x2  }
0x6f: {  	v3 =	vld [tilespmem:$0x1D0];
	v2 =	vor.u32 v0, v2;
	_ =	sdelay $0x3  }
0x70: {  	[tilespmem:$0x3B0] =	vst v1  }
0x71: {  	v1 =	vld.idx.msk [tilespmem:v2+s10+$0x0], $0xffff;
	v2 =	vshll.u32 v3, $0x2  }
0x72: {  	v3 =	vld [tilespmem:$0x1E0];
	v2 =	vor.u32 v0, v2;
	_ =	sdelay $0x3  }
0x73: {  	[tilespmem:$0x3C0] =	vst v1  }
0x74: {  	v1 =	vld.idx.msk [tilespmem:v2+s10+$0x0], $0xffff;
	v2 =	vshll.u32 v3, $0x2  }
0x75: {  	v3 =	vld [tilespmem:$0x1F0];
	v2 =	vor.u32 v0, v2;
	_ =	sdelay $0x3  }
0x76: {  	[tilespmem:$0x3D0] =	vst v1  }
0x77: {  	v1 =	vld.idx.msk [tilespmem:v2+s10+$0x0], $0xffff;
	v2 =	vshll.u32 v3, $0x2  }
0x78: {  	v2 =	vor.u32 v0, v2;
	_ =	sdelay $0x3  }
0x79: {  	[tilespmem:$0x3E0] =	vst v1  }
0x7a: {  	v1 =	vld.idx.msk [tilespmem:v2+s10+$0x0], $0xffff;
	_ =	sdelay $0x3  }
0x7b: {  	s14 =	simm.s32 $0x4500;
	s11 =	sadd.s32 $0x2400, s28;
	s19 =	sshll.u32 s13, $0x10  }
0x7c: {  	s13 =	simm.s32 $0x200;
	s18 =	sshll.u32 s12, $0xD;
	s12 =	simm.s32 $0x80;
	[tilespmem:$0x3F0] =	vst v1  }
0x7d: {  	[tilespmem:s14], [sflag:$0x1] =	stream.indirect.gather [hbm4b:s11+s12], $0x80, s13, s12, $0xb8;
	[tilespmem:$0xC500] =	vst v63  }
0x7e: {  	s15 =	simm.s32 $0x280;
	s16 =	simm.s32 $0x8500;
	s17 =	simm.s32 $0x1  }
0x7f: {  	[tilespmem:s16], [sflag:$0x2] =	stream.indirect.gather [hbm4b:s11+s12], $0x80, s15, s12, $0xb8;
	[tilespmem:$0xC500] =	vst v63  }
0x80: {  	s18 =	sor.u32 s19, s18;
	_ =	swait.ge [sflag:s17], $0x4000  }
0x81: {  	s25 =	sadd.s32 s18, s28;
	[sflag:s17] =	ssyncset.done $0x0  }
0x82: {  	s18 =	sadd.s32 $0x31F800, s25;
	[sflag:s17] =	ssyncadd.s32 $0xFFFFC000  }
0x83: {  	[hbm4b:s18+s3] =	stream.linear.scatter [tilespmem:s14], [sflag:$0x3], $0x4000, $0x38;
	[tilespmem:$0xC500] =	vst v63  }
0x84: {  	_ =	swait.ge [sflag:s4], $0x4000  }
0x85: {  	[sflag:s4] =	ssyncset.done $0x0  }
0x86: {  	s20 =	simm.s32 $0x2;
	s19 =	simm.s32 $0x300;
	[sflag:s4] =	ssyncadd.s32 $0xFFFFC000  }
0x87: {  	[tilespmem:s14], [sflag:$0x1] =	stream.indirect.gather [hbm4b:s11+s12], $0x80, s19, s12, $0xb8;
	[tilespmem:$0xC500] =	vst v63  }
0x88: {  	_ =	swait.ge [sflag:s20], $0x4000  }
0x89: {  	[sflag:s20] =	ssyncset.done $0x0  }
0x8a: {  	s21 =	sadd.s32 $0x320000, s25;
	[sflag:s20] =	ssyncadd.s32 $0xFFFFC000  }
0x8b: {  	[hbm4b:s21+s3] =	stream.linear.scatter [tilespmem:s16], [sflag:$0x3], $0x4000, $0x38;
	[tilespmem:$0xC500] =	vst v63  }
0x8c: {  	_ =	swait.ge [sflag:s4], $0x4000  }
0x8d: {  	[sflag:s4] =	ssyncset.done $0x0  }
0x8e: {  	s22 =	simm.s32 $0x380;
	[sflag:s4] =	ssyncadd.s32 $0xFFFFC000  }
0x8f: {  	[tilespmem:s16], [sflag:$0x2] =	stream.indirect.gather [hbm4b:s11+s12], $0x80, s22, s12, $0xb8;
	[tilespmem:$0xC500] =	vst v63  }
0x90: {  	_ =	swait.ge [sflag:s17], $0x4000  }
0x91: {  	[sflag:s17] =	ssyncset.done $0x0  }
0x92: {  	s23 =	sadd.s32 $0x320800, s25;
	[sflag:s17] =	ssyncadd.s32 $0xFFFFC000  }
0x93: {  	[hbm4b:s23+s3] =	stream.linear.scatter [tilespmem:s14], [sflag:$0x3], $0x4000, $0x38;
	[tilespmem:$0xC500] =	vst v63  }
0x94: {  	_ =	swait.ge [sflag:s4], $0x4000  }
0x95: {  	[sflag:s4] =	ssyncset.done $0x0  }
0x96: {  	s24 =	sadd.s32 $0x188E00, s28;
	[sflag:s4] =	ssyncadd.s32 $0xFFFFC000  }
0x97: {  	[tilespmem:s14], [sflag:$0x1] =	stream.indirect.gather [hbm4b:s24+s12], $0x80, s7, s12, $0xb8;
	[tilespmem:$0xC500] =	vst v63  }
0x98: {  	_ =	swait.ge [sflag:s20], $0x4000  }
0x99: {  	[sflag:s20] =	ssyncset.done $0x0  }
0x9a: {  	s25 =	sadd.s32 $0x321000, s25;
	[sflag:s20] =	ssyncadd.s32 $0xFFFFC000  }
0x9b: {  	[hbm4b:s25+s3] =	stream.linear.scatter [tilespmem:s16], [sflag:$0x3], $0x4000, $0x38;
	[tilespmem:$0xC500] =	vst v63  }
0x9c: {  	_ =	swait.ge [sflag:s4], $0x4000  }
0x9d: {  	[sflag:s4] =	ssyncset.done $0x0  }
0x9e: {  	s26 =	sadd.s32 $0x30F800, s28;
	[sflag:s4] =	ssyncadd.s32 $0xFFFFC000  }
0x9f: {  	[tilespmem:s16], [sflag:$0x2] =	stream.indirect.gather [hbm4b:s26+s12], $0x80, s9, s12, $0xb8;
	[tilespmem:$0xC500] =	vst v63  }
0xa0: {  	s30 =	sshll.u32 s30, $0xB;
	_ =	swait.ge [sflag:s17], $0x4000  }
0xa1: {  	s30 =	sadd.s32 s30, s28;
	[sflag:s17] =	ssyncset.done $0x0  }
0xa2: {  	s29 =	ssub.s32 $0x2, s29;
	s28 =	sadd.s32 $0x360000, s30;
	[sflag:s17] =	ssyncadd.s32 $0xFFFFC000  }
0xa3: {  	[hbm4b:s28+s3] =	stream.linear.scatter [tilespmem:s14], [sflag:$0x3], $0x4000, $0x38;
	[tilespmem:$0xC500] =	vst v63  }
0xa4: {  	s31 =	sshrl.u32 s29, $0x1;
	_ =	swait.ge [sflag:s4], $0x4000  }
0xa5: {  	s31 =	ssub.s32 s29, s31;
	[sflag:s4] =	ssyncset.done $0x0  }
0xa6: {  	s29 =	sadd.s32 $0x370800, s30;
	s30 =	smax.u32 s31, $0x1;
	[sflag:s4] =	ssyncadd.s32 $0xFFFFC000  }
0xa7: {  	p0 =	sne.s32 s30, $0x1;
	_ =	swait.ge [sflag:s20], $0x4000  }
.Ltmp0:
0xa8: {  	[sflag:s20] =	ssyncset.done $0x0;
	(pc) =	sbr.rel @!p0 .LBB2_2-.Ltmp0, $4  }
0xa9: {  	[sflag:s20] =	ssyncadd.s32 $0xFFFFC000  }
0xaa: {  	[hbm4b:s29+s3] =	stream.linear.scatter [tilespmem:s16], [sflag:$0x3], $0x4000, $0x38;
	[tilespmem:$0xC500] =	vst v63  }
0xab: {  	_ =	swait.ge [sflag:s4], $0x4000  }
0xac: {  	s30 =	sadd.s32 $0xFFFFFFFF, s30;
	[sflag:s4] =	ssyncset.done $0x0  }
.LBB2_1:
0xad: {  	p0 =	sne.s32 s30, $0x1;
	s30 =	sadd.s32 $0xFFFFFFFF, s30;
	[sflag:s4] =	ssyncadd.s32 $0xFFFFC000  }
0xae: {  	[tilespmem:s3], [sflag:$0x3] =	stream.linear.gather [hbm4b:s5+s3], $0x200, $0x38;
	[tilespmem:$0xC500] =	vst v63  }
0xaf: {  	_ =	swait.ge [sflag:s4], $0x200  }
0xb0: {  	[sflag:s4] =	ssyncset.done $0x0  }
0xb1: {  	[sflag:s4] =	ssyncadd.s32 $0xFFFFFE00  }
0xb2: {  	[tilespmem:s7], [sflag:$0x3] =	stream.linear.gather [hbm4b:s6+s3], $0x80, $0x38;
	[tilespmem:$0xC500] =	vst v63  }
0xb3: {  	_ =	swait.ge [sflag:s4], $0x80  }
0xb4: {  	[sflag:s4] =	ssyncset.done $0x0  }
0xb5: {  	[sflag:s4] =	ssyncadd.s32 $0xFFFFFF80  }
0xb6: {  	[tilespmem:s9], [sflag:$0x3] =	stream.linear.gather [hbm4b:s8+s3], $0x80, $0x38;
	[tilespmem:$0xC500] =	vst v63  }
0xb7: {  	_ =	swait.ge [sflag:s4], $0x80  }
0xb8: {  	[sflag:s4] =	ssyncset.done $0x0  }
0xb9: {  	[sflag:s4] =	ssyncadd.s32 $0xFFFFFF80  }
0xba: {  	[tilespmem:s10], [sflag:$0x3] =	stream.linear.gather [hbm4b:s2+s3], $0x4000, $0x38;
	[tilespmem:$0xC500] =	vst v63  }
0xbb: {  	_ =	swait.ge [sflag:s4], $0x4000  }
0xbc: {  	[sflag:s4] =	ssyncset.done $0x0  }
0xbd: {  	[sflag:s4] =	ssyncadd.s32 $0xFFFFC000  }
0xbe: {  	v1 =	vld [tilespmem:$0x0];
	_ =	sdelay $0x4  }
0xbf: {  	v1 =	vshll.u32 v1, $0x2  }
0xc0: {  	v1 =	vor.u32 v0, v1  }
0xc1: {  	v2 =	vld [tilespmem:$0x10];
	_ =	sdelay $0x3  }
0xc2: {  	v1 =	vld.idx.msk [tilespmem:v1+s10+$0x0], $0xffff  }
0xc3: {  	v2 =	vshll.u32 v2, $0x2  }
0xc4: {  	v2 =	vor.u32 v0, v2  }
0xc5: {  	v3 =	vld [tilespmem:$0x20];
	_ =	sdelay $0x2  }
0xc6: {  	[tilespmem:$0x200] =	vst v1  }
0xc7: {  	v1 =	vld.idx.msk [tilespmem:v2+s10+$0x0], $0xffff  }
0xc8: {  	v2 =	vshll.u32 v3, $0x2  }
0xc9: {  	v2 =	vor.u32 v0, v2  }
0xca: {  	v3 =	vld [tilespmem:$0x30];
	_ =	sdelay $0x2  }
0xcb: {  	[tilespmem:$0x210] =	vst v1  }
0xcc: {  	v1 =	vld.idx.msk [tilespmem:v2+s10+$0x0], $0xffff  }
0xcd: {  	v2 =	vshll.u32 v3, $0x2  }
0xce: {  	v2 =	vor.u32 v0, v2  }
0xcf: {  	v3 =	vld [tilespmem:$0x40];
	_ =	sdelay $0x2  }
0xd0: {  	[tilespmem:$0x220] =	vst v1  }
0xd1: {  	v1 =	vld.idx.msk [tilespmem:v2+s10+$0x0], $0xffff  }
0xd2: {  	v2 =	vshll.u32 v3, $0x2  }
0xd3: {  	v2 =	vor.u32 v0, v2  }
0xd4: {  	v3 =	vld [tilespmem:$0x50];
	_ =	sdelay $0x2  }
0xd5: {  	[tilespmem:$0x230] =	vst v1  }
0xd6: {  	v1 =	vld.idx.msk [tilespmem:v2+s10+$0x0], $0xffff  }
0xd7: {  	v2 =	vshll.u32 v3, $0x2  }
0xd8: {  	v2 =	vor.u32 v0, v2  }
0xd9: {  	v3 =	vld [tilespmem:$0x60];
	_ =	sdelay $0x2  }
0xda: {  	[tilespmem:$0x240] =	vst v1  }
0xdb: {  	v1 =	vld.idx.msk [tilespmem:v2+s10+$0x0], $0xffff  }
0xdc: {  	v2 =	vshll.u32 v3, $0x2  }
0xdd: {  	v2 =	vor.u32 v0, v2  }
0xde: {  	v3 =	vld [tilespmem:$0x70];
	_ =	sdelay $0x2  }
0xdf: {  	[tilespmem:$0x250] =	vst v1  }
0xe0: {  	v1 =	vld.idx.msk [tilespmem:v2+s10+$0x0], $0xffff  }
0xe1: {  	v2 =	vshll.u32 v3, $0x2  }
0xe2: {  	v2 =	vor.u32 v0, v2  }
0xe3: {  	v3 =	vld [tilespmem:$0x80];
	_ =	sdelay $0x2  }
0xe4: {  	[tilespmem:$0x260] =	vst v1  }
0xe5: {  	v1 =	vld.idx.msk [tilespmem:v2+s10+$0x0], $0xffff  }
0xe6: {  	v2 =	vshll.u32 v3, $0x2  }
0xe7: {  	v2 =	vor.u32 v0, v2  }
0xe8: {  	v3 =	vld [tilespmem:$0x90];
	_ =	sdelay $0x2  }
0xe9: {  	[tilespmem:$0x270] =	vst v1  }
0xea: {  	v1 =	vld.idx.msk [tilespmem:v2+s10+$0x0], $0xffff  }
0xeb: {  	v2 =	vshll.u32 v3, $0x2  }
0xec: {  	v2 =	vor.u32 v0, v2  }
0xed: {  	v3 =	vld [tilespmem:$0xA0];
	_ =	sdelay $0x2  }
0xee: {  	[tilespmem:$0x280] =	vst v1  }
0xef: {  	v1 =	vld.idx.msk [tilespmem:v2+s10+$0x0], $0xffff  }
0xf0: {  	v2 =	vshll.u32 v3, $0x2  }
0xf1: {  	v2 =	vor.u32 v0, v2  }
0xf2: {  	v3 =	vld [tilespmem:$0xB0];
	_ =	sdelay $0x2  }
0xf3: {  	[tilespmem:$0x290] =	vst v1  }
0xf4: {  	v1 =	vld.idx.msk [tilespmem:v2+s10+$0x0], $0xffff  }
0xf5: {  	v2 =	vshll.u32 v3, $0x2  }
0xf6: {  	v2 =	vor.u32 v0, v2  }
0xf7: {  	v3 =	vld [tilespmem:$0xC0];
	_ =	sdelay $0x2  }
0xf8: {  	[tilespmem:$0x2A0] =	vst v1  }
0xf9: {  	v1 =	vld.idx.msk [tilespmem:v2+s10+$0x0], $0xffff  }
0xfa: {  	v2 =	vshll.u32 v3, $0x2  }
0xfb: {  	v2 =	vor.u32 v0, v2  }
0xfc: {  	v3 =	vld [tilespmem:$0xD0];
	_ =	sdelay $0x2  }
0xfd: {  	[tilespmem:$0x2B0] =	vst v1  }
0xfe: {  	v1 =	vld.idx.msk [tilespmem:v2+s10+$0x0], $0xffff  }
0xff: {  	v2 =	vshll.u32 v3, $0x2  }
0x100: {  	v2 =	vor.u32 v0, v2  }
0x101: {  	v3 =	vld [tilespmem:$0xE0];
	_ =	sdelay $0x2  }
0x102: {  	[tilespmem:$0x2C0] =	vst v1  }
0x103: {  	v1 =	vld.idx.msk [tilespmem:v2+s10+$0x0], $0xffff  }
0x104: {  	v2 =	vshll.u32 v3, $0x2  }
0x105: {  	v2 =	vor.u32 v0, v2  }
0x106: {  	v3 =	vld [tilespmem:$0xF0];
	_ =	sdelay $0x2  }
0x107: {  	[tilespmem:$0x2D0] =	vst v1  }
0x108: {  	v1 =	vld.idx.msk [tilespmem:v2+s10+$0x0], $0xffff  }
0x109: {  	v2 =	vshll.u32 v3, $0x2  }
0x10a: {  	v2 =	vor.u32 v0, v2  }
0x10b: {  	v3 =	vld [tilespmem:$0x100];
	_ =	sdelay $0x2  }
0x10c: {  	[tilespmem:$0x2E0] =	vst v1  }
0x10d: {  	v1 =	vld.idx.msk [tilespmem:v2+s10+$0x0], $0xffff  }
0x10e: {  	v2 =	vshll.u32 v3, $0x2  }
0x10f: {  	v2 =	vor.u32 v0, v2  }
0x110: {  	v3 =	vld [tilespmem:$0x110];
	_ =	sdelay $0x2  }
0x111: {  	[tilespmem:$0x2F0] =	vst v1  }
0x112: {  	v1 =	vld.idx.msk [tilespmem:v2+s10+$0x0], $0xffff  }
0x113: {  	v2 =	vshll.u32 v3, $0x2  }
0x114: {  	v2 =	vor.u32 v0, v2  }
0x115: {  	v3 =	vld [tilespmem:$0x120];
	_ =	sdelay $0x2  }
0x116: {  	[tilespmem:$0x300] =	vst v1  }
0x117: {  	v1 =	vld.idx.msk [tilespmem:v2+s10+$0x0], $0xffff  }
0x118: {  	v2 =	vshll.u32 v3, $0x2  }
0x119: {  	v2 =	vor.u32 v0, v2  }
0x11a: {  	v3 =	vld [tilespmem:$0x130];
	_ =	sdelay $0x2  }
0x11b: {  	[tilespmem:$0x310] =	vst v1  }
0x11c: {  	v1 =	vld.idx.msk [tilespmem:v2+s10+$0x0], $0xffff  }
0x11d: {  	v2 =	vshll.u32 v3, $0x2  }
0x11e: {  	v2 =	vor.u32 v0, v2  }
0x11f: {  	v3 =	vld [tilespmem:$0x140];
	_ =	sdelay $0x2  }
0x120: {  	[tilespmem:$0x320] =	vst v1  }
0x121: {  	v1 =	vld.idx.msk [tilespmem:v2+s10+$0x0], $0xffff  }
0x122: {  	v2 =	vshll.u32 v3, $0x2  }
0x123: {  	v2 =	vor.u32 v0, v2  }
0x124: {  	v3 =	vld [tilespmem:$0x150];
	_ =	sdelay $0x2  }
0x125: {  	[tilespmem:$0x330] =	vst v1  }
0x126: {  	v1 =	vld.idx.msk [tilespmem:v2+s10+$0x0], $0xffff  }
0x127: {  	v2 =	vshll.u32 v3, $0x2  }
0x128: {  	v2 =	vor.u32 v0, v2  }
0x129: {  	v3 =	vld [tilespmem:$0x160];
	_ =	sdelay $0x2  }
0x12a: {  	[tilespmem:$0x340] =	vst v1  }
0x12b: {  	v1 =	vld.idx.msk [tilespmem:v2+s10+$0x0], $0xffff  }
0x12c: {  	v2 =	vshll.u32 v3, $0x2  }
0x12d: {  	v2 =	vor.u32 v0, v2  }
0x12e: {  	v3 =	vld [tilespmem:$0x170];
	_ =	sdelay $0x2  }
0x12f: {  	[tilespmem:$0x350] =	vst v1  }
0x130: {  	v1 =	vld.idx.msk [tilespmem:v2+s10+$0x0], $0xffff  }
0x131: {  	v2 =	vshll.u32 v3, $0x2  }
0x132: {  	v2 =	vor.u32 v0, v2  }
0x133: {  	v3 =	vld [tilespmem:$0x180];
	_ =	sdelay $0x2  }
0x134: {  	[tilespmem:$0x360] =	vst v1  }
0x135: {  	v1 =	vld.idx.msk [tilespmem:v2+s10+$0x0], $0xffff  }
0x136: {  	v2 =	vshll.u32 v3, $0x2  }
0x137: {  	v2 =	vor.u32 v0, v2  }
0x138: {  	v3 =	vld [tilespmem:$0x190];
	_ =	sdelay $0x2  }
0x139: {  	[tilespmem:$0x370] =	vst v1  }
0x13a: {  	v1 =	vld.idx.msk [tilespmem:v2+s10+$0x0], $0xffff  }
0x13b: {  	v2 =	vshll.u32 v3, $0x2  }
0x13c: {  	v2 =	vor.u32 v0, v2  }
0x13d: {  	v3 =	vld [tilespmem:$0x1A0];
	_ =	sdelay $0x2  }
0x13e: {  	[tilespmem:$0x380] =	vst v1  }
0x13f: {  	v1 =	vld.idx.msk [tilespmem:v2+s10+$0x0], $0xffff  }
0x140: {  	v2 =	vshll.u32 v3, $0x2  }
0x141: {  	v2 =	vor.u32 v0, v2  }
0x142: {  	v3 =	vld [tilespmem:$0x1B0];
	_ =	sdelay $0x2  }
0x143: {  	[tilespmem:$0x390] =	vst v1  }
0x144: {  	v1 =	vld.idx.msk [tilespmem:v2+s10+$0x0], $0xffff  }
0x145: {  	v2 =	vshll.u32 v3, $0x2  }
0x146: {  	v2 =	vor.u32 v0, v2  }
0x147: {  	v3 =	vld [tilespmem:$0x1C0];
	_ =	sdelay $0x2  }
0x148: {  	[tilespmem:$0x3A0] =	vst v1  }
0x149: {  	v1 =	vld.idx.msk [tilespmem:v2+s10+$0x0], $0xffff  }
0x14a: {  	v2 =	vshll.u32 v3, $0x2  }
0x14b: {  	v2 =	vor.u32 v0, v2  }
0x14c: {  	v3 =	vld [tilespmem:$0x1D0];
	_ =	sdelay $0x2  }
0x14d: {  	[tilespmem:$0x3B0] =	vst v1  }
0x14e: {  	v1 =	vld.idx.msk [tilespmem:v2+s10+$0x0], $0xffff  }
0x14f: {  	v2 =	vshll.u32 v3, $0x2  }
0x150: {  	v2 =	vor.u32 v0, v2  }
0x151: {  	v3 =	vld [tilespmem:$0x1E0];
	_ =	sdelay $0x2  }
0x152: {  	[tilespmem:$0x3C0] =	vst v1  }
0x153: {  	v1 =	vld.idx.msk [tilespmem:v2+s10+$0x0], $0xffff  }
0x154: {  	v2 =	vshll.u32 v3, $0x2  }
0x155: {  	v2 =	vor.u32 v0, v2  }
0x156: {  	v3 =	vld [tilespmem:$0x1F0];
	_ =	sdelay $0x2  }
0x157: {  	[tilespmem:$0x3D0] =	vst v1  }
0x158: {  	v1 =	vld.idx.msk [tilespmem:v2+s10+$0x0], $0xffff  }
0x159: {  	v2 =	vshll.u32 v3, $0x2  }
0x15a: {  	v2 =	vor.u32 v0, v2;
	_ =	sdelay $0x3  }
0x15b: {  	[tilespmem:$0x3E0] =	vst v1  }
0x15c: {  	v1 =	vld.idx.msk [tilespmem:v2+s10+$0x0], $0xffff;
	_ =	sdelay $0x5  }
0x15d: {  	[tilespmem:$0x3F0] =	vst v1  }
0x15e: {  	[tilespmem:s14], [sflag:$0x1] =	stream.indirect.gather [hbm4b:s11+s12], $0x80, s13, s12, $0xb8;
	[tilespmem:$0xC500] =	vst v63  }
0x15f: {  	_ = 	snop  }
0x160: {  	[tilespmem:s16], [sflag:$0x2] =	stream.indirect.gather [hbm4b:s11+s12], $0x80, s15, s12, $0xb8;
	[tilespmem:$0xC500] =	vst v63  }
0x161: {  	_ =	swait.ge [sflag:s17], $0x4000  }
0x162: {  	[sflag:s17] =	ssyncset.done $0x0  }
0x163: {  	[sflag:s17] =	ssyncadd.s32 $0xFFFFC000  }
0x164: {  	[hbm4b:s18+s3] =	stream.linear.scatter [tilespmem:s14], [sflag:$0x3], $0x4000, $0x38;
	[tilespmem:$0xC500] =	vst v63  }
0x165: {  	_ =	swait.ge [sflag:s4], $0x4000  }
0x166: {  	[sflag:s4] =	ssyncset.done $0x0  }
0x167: {  	[sflag:s4] =	ssyncadd.s32 $0xFFFFC000  }
0x168: {  	[tilespmem:s14], [sflag:$0x1] =	stream.indirect.gather [hbm4b:s11+s12], $0x80, s19, s12, $0xb8;
	[tilespmem:$0xC500] =	vst v63  }
0x169: {  	_ =	swait.ge [sflag:s20], $0x4000  }
0x16a: {  	[sflag:s20] =	ssyncset.done $0x0  }
0x16b: {  	[sflag:s20] =	ssyncadd.s32 $0xFFFFC000  }
0x16c: {  	[hbm4b:s21+s3] =	stream.linear.scatter [tilespmem:s16], [sflag:$0x3], $0x4000, $0x38;
	[tilespmem:$0xC500] =	vst v63  }
0x16d: {  	_ =	swait.ge [sflag:s4], $0x4000  }
0x16e: {  	[sflag:s4] =	ssyncset.done $0x0  }
0x16f: {  	[sflag:s4] =	ssyncadd.s32 $0xFFFFC000  }
0x170: {  	[tilespmem:s16], [sflag:$0x2] =	stream.indirect.gather [hbm4b:s11+s12], $0x80, s22, s12, $0xb8;
	[tilespmem:$0xC500] =	vst v63  }
0x171: {  	_ =	swait.ge [sflag:s17], $0x4000  }
0x172: {  	[sflag:s17] =	ssyncset.done $0x0  }
0x173: {  	[sflag:s17] =	ssyncadd.s32 $0xFFFFC000  }
0x174: {  	[hbm4b:s23+s3] =	stream.linear.scatter [tilespmem:s14], [sflag:$0x3], $0x4000, $0x38;
	[tilespmem:$0xC500] =	vst v63  }
0x175: {  	_ =	swait.ge [sflag:s4], $0x4000  }
0x176: {  	[sflag:s4] =	ssyncset.done $0x0  }
0x177: {  	[sflag:s4] =	ssyncadd.s32 $0xFFFFC000  }
0x178: {  	[tilespmem:s14], [sflag:$0x1] =	stream.indirect.gather [hbm4b:s24+s12], $0x80, s7, s12, $0xb8;
	[tilespmem:$0xC500] =	vst v63  }
0x179: {  	_ =	swait.ge [sflag:s20], $0x4000  }
0x17a: {  	[sflag:s20] =	ssyncset.done $0x0  }
0x17b: {  	[sflag:s20] =	ssyncadd.s32 $0xFFFFC000  }
0x17c: {  	[hbm4b:s25+s3] =	stream.linear.scatter [tilespmem:s16], [sflag:$0x3], $0x4000, $0x38;
	[tilespmem:$0xC500] =	vst v63  }
0x17d: {  	_ =	swait.ge [sflag:s4], $0x4000  }
0x17e: {  	[sflag:s4] =	ssyncset.done $0x0  }
0x17f: {  	[sflag:s4] =	ssyncadd.s32 $0xFFFFC000  }
0x180: {  	[tilespmem:s16], [sflag:$0x2] =	stream.indirect.gather [hbm4b:s26+s12], $0x80, s9, s12, $0xb8;
	[tilespmem:$0xC500] =	vst v63  }
0x181: {  	_ =	swait.ge [sflag:s17], $0x4000  }
0x182: {  	[sflag:s17] =	ssyncset.done $0x0  }
0x183: {  	[sflag:s17] =	ssyncadd.s32 $0xFFFFC000  }
0x184: {  	[hbm4b:s28+s3] =	stream.linear.scatter [tilespmem:s14], [sflag:$0x3], $0x4000, $0x38;
	[tilespmem:$0xC500] =	vst v63  }
0x185: {  	_ =	swait.ge [sflag:s4], $0x4000  }
0x186: {  	[sflag:s4] =	ssyncset.done $0x0  }
0x187: {  	[sflag:s4] =	ssyncadd.s32 $0xFFFFC000  }
0x188: {  	_ =	swait.ge [sflag:s20], $0x4000  }
.Ltmp1:
0x189: {  	[sflag:s20] =	ssyncset.done $0x0;
	(pc) =	sbr.rel @p0 .LBB2_1-.Ltmp1, $4  }
0x18a: {  	[sflag:s20] =	ssyncadd.s32 $0xFFFFC000  }
0x18b: {  	[hbm4b:s29+s3] =	stream.linear.scatter [tilespmem:s16], [sflag:$0x3], $0x4000, $0x38;
	[tilespmem:$0xC500] =	vst v63  }
0x18c: {  	_ =	swait.ge [sflag:s4], $0x4000  }
0x18d: {  	[sflag:s4] =	ssyncset.done $0x0  }
.LBB2_2:
0x18e: {  	[sflag:s4] =	ssyncadd.s32 $0xFFFFC000  }
0x18f: {  	_ =	sfence.sel $0x180000  }
0x190: {  	[bflag:$0x0] =	sbarrier.arrive $0xFFFF  }
0x191: {  	p0 =	sne.s32 s0, $0x0;
	_ =	strace $0x90000047  }
0x192: {  	s0 =	sadd.s32 @!p0 $0x100000, s1;
	[bflag:$0x2] =	sbarrier.arrive $0xFFFF  }
0x193: {  	[sflag:s0] =	ssyncadd.tile.s32 @!p0 $0x1;
	_ =	shalt  }
.Lfunc_end2:
_tile_overlayer_lowered:
.L_overlay_start_2:
0x194: {  	(tag) =	ssettag $0x2  }
0x195: {  	s0 =	rddreg [dreg:$0x0];
	s2 =	stileid.u32  }
0x196: {  	s1 =	rddreg [dreg:$0x1];
	p0 =	sne.s32 s2, $0x0  }
0x197: {  	s3 =	rddreg [dreg:$0x2];
	[bflag:$0x3] =	sbarrier.arrive $0xFFFF;
	s2 =	simm.s32 @!p0 $0x1C03  }
0x198: {  	[timem:s3], [sflag:s2] =	dma.local @!p0 [hbm:s0], s1  }
0x199: {  	s0 =	simm.s32 @!p0 $0x3  }
0x19a: {  	_ =	swait.ge @!p0 [sflag:s0], s1  }
0x19b: {  	s1 =	ssub.s32 @!p0 $0x0, s1;
	[sflag:s0] =	ssyncset.done @!p0 $0x0  }
0x19c: {  	[sflag:s0] =	ssyncadd.s32 @!p0 s1  }
0x19d: {  	[bflag:$0x3] =	sbarrier.arrive $0xFFFF  }
0x19e: {  	_ =	shalt  }

</sc_bundles>
